<compile_context>
chip_gen: v7x
topology: tpu7x:2x2x1
jax: 0.10.2.dev20260603
libtpu: 0.0.44.dev20260713+nightly
codegen_flags: <defaults>
</compile_context>

<pallas_src>
import jax
import jax.numpy as jnp
from jax import lax
from jax.experimental import pallas as pl
from jax.experimental.pallas import tpu as pltpu
from jax.experimental.pallas import tpu_sc as plsc

B, L, C = 16, 2048, 1024
T = 2 * L
NC, NS = 2, 16
HALF = L // 2
CH = 16
GN = 24
NCH = HALF // CH
LANES = 16
CV = C // LANES
INV = 1.0 / float(T - 1)


def _weights(m, p_pad):
    mf = m.astype(jnp.float32)
    zero = jnp.float32(0.0)
    alpha = mf * INV
    w_prev = jnp.where(m >= p_pad + 1, alpha, zero)
    w_cur_e = jnp.where(m >= p_pad, 1.0 - alpha, zero)
    w_cur_o = jnp.where(m >= p_pad, (mf + float(L)) * INV, zero)
    w_next = jnp.where(m >= p_pad - 1, (float(L - 1) - mf) * INV, zero)
    return (jnp.broadcast_to(w_prev, (LANES,)),
            jnp.broadcast_to(w_cur_e, (LANES,)),
            jnp.broadcast_to(w_cur_o, (LANES,)),
            jnp.broadcast_to(w_next, (LANES,)))


def _sc_body(ctx_hbm, mask_hbm, out_hbm, tm_hbm,
             mask_v, ext_v, tm_v, buf0, buf1, ob0, ob1,
             sg0, sg1, sw0, sw1):
    wid = lax.axis_index("s") * NC + lax.axis_index("c")
    b = wid // 2
    half = wid % 2
    base = b * L

    pltpu.sync_copy(mask_hbm.at[b], mask_v)

    basev = jnp.broadcast_to(base, (LANES,))

    @plsc.parallel_loop(0, (L + 2 * GN) // LANES, unroll=8)
    def _init_ext(j):
        ext_v[pl.ds(j * LANES, LANES)] = basev

    def _count(j, tot):
        return tot + jnp.sum(mask_v[pl.ds(j * LANES, LANES)])

    nvalid = lax.fori_loop(0, L // LANES, _count, jnp.int32(0))
    p_pad = jnp.int32(L) - nvalid

    lane = lax.iota(jnp.int32, LANES)

    def _scatter(j, cum):
        mv = mask_v[pl.ds(j * LANES, LANES)]
        csum = jnp.cumsum(mv) + cum
        jloc = lane + j * LANES
        dest = jnp.where(mv > 0, p_pad - 1 + csum, jloc - csum)
        plsc.store_scatter(ext_v, [dest + 1], jloc + base)
        return cum + jnp.sum(mv)

    lax.fori_loop(0, L // LANES, _scatter, jnp.int32(0))

    two_p = 2 * p_pad

    @plsc.parallel_loop(0, (2 * HALF) // LANES, unroll=8)
    def _tmrow(j):
        g = lane + (j * LANES + half * (2 * HALF))
        tm_v[pl.ds(j * LANES, LANES)] = (g >= two_p).astype(jnp.int32)
    pltpu.sync_copy(tm_v, tm_hbm.at[pl.ds(b * T + half * (2 * HALF), 2 * HALF)])

    zv = jnp.zeros((LANES,), jnp.float32)

    @plsc.parallel_loop(0, GN * CV, unroll=8)
    def _zbuf(j):
        r = j // CV
        o = pl.ds((j % CV) * LANES, LANES)
        buf0[r, o] = zv
        buf1[r, o] = zv

    bufs = (buf0, buf1)
    obufs = (ob0, ob1)
    gsems = (sg0, sg1)
    wsems = (sw0, sw1)
    s_max = (2 * (NCH - 1) + 1) * CH

    def _s_of(k):
        return jnp.minimum((2 * k + half) * CH, s_max)

    def _active(s_p):
        return s_p + CH > p_pad - 1

    def _gather_desc(k, slot):
        s_p = _s_of(k)
        idx = ext_v.at[pl.ds(s_p, GN)]
        return pltpu.make_async_copy(ctx_hbm.at[idx], bufs[slot],
                                     gsems[slot])

    def _start_gather(k, slot):
        @pl.when(_active(_s_of(k)))
        def _():
            _gather_desc(k, slot).start()

    def _wait_gather(k, slot):
        @pl.when(_active(_s_of(k)))
        def _():
            _gather_desc(k, slot).wait()

    for sl in range(2):
        _start_gather(jnp.int32(sl), sl)

    def _chunk(k2, carry, sl):
        k = 2 * k2 + sl
        s_p = (2 * k + half) * CH
        buf = bufs[sl]
        obuf = obufs[sl]
        _wait_gather(k, sl)

        @pl.when(k2 >= 1)
        def _():
            pltpu.make_async_copy(obuf, out_hbm.at[pl.ds(0, 2 * CH)],
                                  wsems[sl]).wait()

        def _pair(ip, c2):
            i = 2 * ip
            m0 = s_p + i
            wp0, we0, wo0, wn0 = _weights(m0, p_pad)
            wp1, we1, wo1, wn1 = _weights(m0 + 1, p_pad)

            @plsc.parallel_loop(0, CV, unroll=8)
            def _col(c):
                off = pl.ds(c * LANES, LANES)
                a = buf[i, off]
                bq = buf[i + 1, off]
                cq = buf[i + 2, off]
                dq = buf[i + 3, off]
                obuf[2 * i, off] = wp0 * a + we0 * bq
                obuf[2 * i + 1, off] = wo0 * bq + wn0 * cq
                obuf[2 * i + 2, off] = wp1 * bq + we1 * cq
                obuf[2 * i + 3, off] = wo1 * cq + wn1 * dq

            return c2

        lax.fori_loop(0, CH // 2, _pair, jnp.int32(0))

        pltpu.async_copy(obuf, out_hbm.at[pl.ds(b * T + 2 * s_p, 2 * CH)],
                         wsems[sl])
        _start_gather(k + 2, sl)
        return carry

    def _ring(k2, carry):
        carry = _chunk(k2, carry, 0)
        carry = _chunk(k2, carry, 1)
        return carry

    lax.fori_loop(0, NCH // 2, _ring, jnp.int32(0))
    for sl in range(2):
        _wait_gather(jnp.int32(NCH + sl), sl)
        pltpu.make_async_copy(obufs[sl], out_hbm.at[pl.ds(0, 2 * CH)],
                              wsems[sl]).wait()


def _sc_interp(ctx_flat, mask):
    mesh = plsc.VectorSubcoreMesh(core_axis_name="c", subcore_axis_name="s")
    return pl.kernel(
        _sc_body,
        out_type=[
            jax.ShapeDtypeStruct((B * T, C), jnp.float32),
            jax.ShapeDtypeStruct((B * T,), jnp.int32),
        ],
        mesh=mesh,
        compiler_params=pltpu.CompilerParams(needs_layout_passes=False),
        scratch_types=[
            pltpu.VMEM((L,), jnp.int32),
            pltpu.VMEM((L + 2 * GN,), jnp.int32),
            pltpu.VMEM((2 * HALF,), jnp.int32),
            pltpu.VMEM((GN, C), jnp.float32),
            pltpu.VMEM((GN, C), jnp.float32),
            pltpu.VMEM((2 * CH, C), jnp.float32),
            pltpu.VMEM((2 * CH, C), jnp.float32),
            pltpu.SemaphoreType.DMA,
            pltpu.SemaphoreType.DMA,
            pltpu.SemaphoreType.DMA,
            pltpu.SemaphoreType.DMA,
        ],
    )(ctx_flat, mask)


def kernel(context, target_length, context_mask):
    del target_length
    ctx_flat = context.reshape(B * L, C)
    out_flat, tm_flat = _sc_interp(ctx_flat, context_mask)
    out = out_flat.reshape(B, T, C)
    tmask = tm_flat.reshape(B, T).astype(bool)
    return out, tmask

# --- scband reference (transcript-rebuilt; emitter-appended) ---
"""Pipeline reference for scband-context-length-transformer-21225728377514 (READ-ONLY COPY).

The authoritative reference and input builder live on the scoring server;
editing this copy changes nothing except your own understanding.
"""

import jax, jax.numpy as jnp
import numpy as np


def setup_inputs(seed: int = 0) -> dict:
    key = jax.random.key(seed)
    k1, k2 = jax.random.split(key)
    context = jax.random.normal(k1, (16, 2048, 1024), dtype=jnp.float32)
    context_mask = jax.random.randint(k2, (16, 2048), 0, 2, dtype=jnp.int32)
    return {"context": context, "target_length": 4096, "context_mask": context_mask}


def _left_pad(context, context_mask):
    # stable ascending argsort of the 0/1 mask puts padding (0) positions first
    # and valid (1) positions last, preserving their original order -> left padding
    order = jnp.argsort(context_mask, axis=-1)  # jax sort is stable
    lp_ctx = jnp.take_along_axis(context, order[:, :, None], axis=1)
    lp_mask = jnp.take_along_axis(context_mask, order, axis=1)
    # torch reference writes into zeros_like, so padded slots are exactly zero
    lp_ctx = lp_ctx * lp_mask[:, :, None].astype(context.dtype)
    return lp_ctx, lp_mask


def reference(context, target_length, context_mask):
    lp_ctx, lp_mask = _left_pad(context, context_mask)
    b, L, C = lp_ctx.shape
    T = 4096
    tl = target_length.astype(jnp.float32) if hasattr(target_length, "astype") else jnp.float32(target_length)
    # F.interpolate(mode='linear', align_corners=True)
    pos = jnp.arange(T, dtype=jnp.float32) * (L - 1) / (tl - 1.0)
    lo = jnp.floor(pos).astype(jnp.int32)
    hi = jnp.minimum(lo + 1, L - 1)
    w = (pos - lo.astype(jnp.float32))
    out = (lp_ctx[:, lo, :] * (1.0 - w)[None, :, None]
           + lp_ctx[:, hi, :] * w[None, :, None])
    # F.interpolate(mode='nearest') on the mask: idx = floor(i * L / T)
    nidx = jnp.clip(jnp.floor(jnp.arange(T, dtype=jnp.float32) * L / tl).astype(jnp.int32), 0, L - 1)
    tmask = lp_mask[:, nidx].astype(bool)
    return out, tmask

if __name__ == "__main__":
    import jax
    _d = setup_inputs()
    print(jax.jit(kernel)(*tuple(_d.values())))

</pallas_src>

<mosaic_0001>
#map = affine_map<(d0, d1) -> (0, 0)>
#map1 = affine_map<(d0, d1) -> (0)>
module attributes {stable_mosaic.version = 14 : i64} {
  func.func @_sc_body(%arg0: i32, %arg1: i32, %arg2: memref<32768x1024xf32, #tpu.memory_space<hbm>>, %arg3: memref<16x2048xi32, #tpu.memory_space<hbm>>, %arg4: memref<65536x1024xf32, #tpu.memory_space<hbm>>, %arg5: memref<65536xi32, #tpu.memory_space<hbm>>, %arg6: memref<2048xi32, #tpu.memory_space<vmem>>, %arg7: memref<2096xi32, #tpu.memory_space<vmem>>, %arg8: memref<2048xi32, #tpu.memory_space<vmem>>, %arg9: memref<24x1024xf32, #tpu.memory_space<vmem>>, %arg10: memref<24x1024xf32, #tpu.memory_space<vmem>>, %arg11: memref<32x1024xf32, #tpu.memory_space<vmem>>, %arg12: memref<32x1024xf32, #tpu.memory_space<vmem>>, %arg13: memref<!tpu.dma_semaphore, #tpu.memory_space<semaphore_mem>>, %arg14: memref<!tpu.dma_semaphore, #tpu.memory_space<semaphore_mem>>, %arg15: memref<!tpu.dma_semaphore, #tpu.memory_space<semaphore_mem>>, %arg16: memref<!tpu.dma_semaphore, #tpu.memory_space<semaphore_mem>>) attributes {dimension_semantics = [#tpu.dimension_semantics<core_parallel>, #tpu.dimension_semantics<subcore_parallel>], iteration_bounds = array<i64: 2, 16>, scalar_prefetch = 0 : i64, scratch_operands = 11 : i64, tpu.core_type = #tpu.core_type<sc_vector_subcore>, window_params = [{transform_indices = #map}, {transform_indices = #map}, {transform_indices = #map}, {transform_indices = #map1}]} {
    %mul3A = arith.constant 2 : i32
    %mul3A_0 = arith.muli %arg1, %mul3A : i32
    %add3A = arith.addi %mul3A_0, %arg0 : i32
    %jit3A = arith.constant 2 : i32
    %div3A = arith.divsi %add3A, %jit3A : i32
    %sign3A = arith.constant 0 : i32
    %sign3A_1 = arith.cmpi sgt, %add3A, %sign3A : i32
    %sign3A_2 = arith.extui %sign3A_1 : i1 to i32
    %sign3A_3 = arith.constant 0 : i32
    %sign3A_4 = arith.cmpi slt, %add3A, %sign3A_3 : i32
    %sign3A_5 = arith.extui %sign3A_4 : i1 to i32
    %sign3A_6 = arith.subi %sign3A_2, %sign3A_5 : i32
    %sign3A_7 = arith.constant 0 : i32
    %sign3A_8 = arith.cmpi sgt, %jit3A, %sign3A_7 : i32
    %sign3A_9 = arith.extui %sign3A_8 : i1 to i32
    %sign3A_10 = arith.constant 0 : i32
    %sign3A_11 = arith.cmpi slt, %jit3A, %sign3A_10 : i32
    %sign3A_12 = arith.extui %sign3A_11 : i1 to i32
    %sign3A_13 = arith.subi %sign3A_9, %sign3A_12 : i32
    %ne3A = arith.cmpi ne, %sign3A_6, %sign3A_13 : i32
    %rem3A = arith.remsi %add3A, %jit3A : i32
    %ne3A_14 = arith.constant 0 : i32
    %ne3A_15 = arith.cmpi ne, %rem3A, %ne3A_14 : i32
    %and3A = arith.andi %ne3A, %ne3A_15 : i1
    %sub3A = arith.constant 1 : i32
    %sub3A_16 = arith.subi %div3A, %sub3A : i32
    %select_n3A = arith.select %and3A, %sub3A_16, %div3A : i32
    %jit3A_17 = arith.constant 2 : i32
    %eq3A = arith.constant 0 : i32
    %eq3A_18 = arith.cmpi eq, %jit3A_17, %eq3A : i32
    %jit3A_19 = arith.constant 1 : i32
    %select_n3A_20 = arith.select %eq3A_18, %jit3A_19, %jit3A_17 : i32
    %rem3A_21 = arith.remsi %add3A, %select_n3A_20 : i32
    %ne3A_22 = arith.constant 0 : i32
    %ne3A_23 = arith.cmpi ne, %rem3A_21, %ne3A_22 : i32
    %lt3A = arith.constant 0 : i32
    %lt3A_24 = arith.cmpi slt, %rem3A_21, %lt3A : i32
    %lt3A_25 = arith.constant 0 : i32
    %lt3A_26 = arith.cmpi slt, %select_n3A_20, %lt3A_25 : i32
    %ne3A_27 = arith.xori %lt3A_24, %lt3A_26 : i1
    %and3A_28 = arith.andi %ne3A_27, %ne3A_23 : i1
    %add3A_29 = arith.addi %rem3A_21, %select_n3A_20 : i32
    %select_n3A_30 = arith.select %and3A_28, %add3A_29, %rem3A_21 : i32
    %mul3A_31 = arith.constant 2048 : i32
    %mul3A_32 = arith.muli %select_n3A, %mul3A_31 : i32
    "tpu.region"() ({
      %run_scoped3A = tpu.sem_alloc : memref<!tpu.dma_semaphore, #tpu.memory_space<semaphore_mem>>
      %dma_start3A = arith.constant 0 : i32
      %dma_start3A_146 = tpu.memref_slice %arg3[%select_n3A, %dma_start3A] : memref<16x2048xi32, #tpu.memory_space<hbm>> -> memref<1x2048xi32, #tpu.memory_space<hbm>>
      %dma_start3A_147 = tpu.memref_squeeze %dma_start3A_146 : memref<1x2048xi32, #tpu.memory_space<hbm>> -> memref<2048xi32, #tpu.memory_space<hbm>>
      %dma_start3A_148 = arith.constant 0 : i32
      %dma_start3A_149 = tpu.memref_slice %arg3[%select_n3A, %dma_start3A_148] : memref<16x2048xi32, #tpu.memory_space<hbm>> -> memref<1x2048xi32, #tpu.memory_space<hbm>>
      %dma_start3A_150 = tpu.memref_squeeze %dma_start3A_149 : memref<1x2048xi32, #tpu.memory_space<hbm>> -> memref<2048xi32, #tpu.memory_space<hbm>>
      tpu.enqueue_dma source(%dma_start3A_150 : memref<2048xi32, #tpu.memory_space<hbm>>) target(%arg6 : memref<2048xi32, #tpu.memory_space<vmem>>) target_semaphore(%run_scoped3A : memref<!tpu.dma_semaphore, #tpu.memory_space<semaphore_mem>>)
      %dma_wait3A_151 = arith.constant 0 : i32
      %dma_wait3A_152 = tpu.memref_slice %arg3[%select_n3A, %dma_wait3A_151] : memref<16x2048xi32, #tpu.memory_space<hbm>> -> memref<1x2048xi32, #tpu.memory_space<hbm>>
      %dma_wait3A_153 = tpu.memref_squeeze %dma_wait3A_152 : memref<1x2048xi32, #tpu.memory_space<hbm>> -> memref<2048xi32, #tpu.memory_space<hbm>>
      %dma_wait3A_154 = arith.constant 0 : i32
      %dma_wait3A_155 = tpu.memref_slice %arg3[%select_n3A, %dma_wait3A_154] : memref<16x2048xi32, #tpu.memory_space<hbm>> -> memref<1x2048xi32, #tpu.memory_space<hbm>>
      %dma_wait3A_156 = tpu.memref_squeeze %dma_wait3A_155 : memref<1x2048xi32, #tpu.memory_space<hbm>> -> memref<2048xi32, #tpu.memory_space<hbm>>
      tpu.wait_dma2 semaphore(%run_scoped3A : memref<!tpu.dma_semaphore, #tpu.memory_space<semaphore_mem>>) src(%dma_wait3A_156 : memref<2048xi32, #tpu.memory_space<hbm>>) dst(%arg6 : memref<2048xi32, #tpu.memory_space<vmem>>)
      tpu.yield
    }) : () -> ()
    %broadcast_in_dim3A = vector.broadcast %mul3A_32 : i32 to vector<16xi32>
    %parallel_loop3A = arith.constant 0 : i32
    %parallel_loop3A_33 = arith.constant 131 : i32
    %parallel_loop3A_34 = arith.constant 1 : i32
    scf.for %parallel_loop3A_146 = %parallel_loop3A to %parallel_loop3A_33 step %parallel_loop3A_34  : i32 {
      %parallel_loop3A_147 = arith.constant 16 : i32
      %parallel_loop3A_148 = arith.muli %parallel_loop3A_146, %parallel_loop3A_147 : i32
      %parallel_loop3A_149 = arith.index_cast %parallel_loop3A_148 : i32 to index
      %parallel_loop3A_150 = tpu.vector_load %arg7[%parallel_loop3A_149] {strides = array<i32>} : memref<2096xi32, #tpu.memory_space<vmem>>, vector<16xi32>,
      tpu.vector_store %arg7[%parallel_loop3A_149], %broadcast_in_dim3A {strides = array<i32>} : memref<2096xi32, #tpu.memory_space<vmem>>, vector<16xi32>,
    } {sc.loop_unroll_factor = 8 : i64, sc.parallel_access}
    %scan3A = arith.constant 0 : i32
    %scan3A_35 = arith.constant 0 : i32
    %scan3A_36 = arith.constant 128 : i32
    %scan3A_37 = arith.addi %scan3A_35, %scan3A_36 : i32
    %scan3A_38 = arith.constant 1 : i32
    %scan3A_39 = scf.for %scan3A_146 = %scan3A_35 to %scan3A_37 step %scan3A_38 iter_args(%scan3A_147 = %scan3A) -> (i32)  : i32 {
      %mul3A_148 = arith.constant 16 : i32
      %mul3A_149 = arith.muli %scan3A_146, %mul3A_148 : i32
      %get3A = arith.index_cast %mul3A_149 : i32 to index
      %get3A_150 = tpu.vector_load %arg6[%get3A] {strides = array<i32>} : memref<2048xi32, #tpu.memory_space<vmem>>, vector<16xi32>,
      %reduce_sum3A = arith.constant true
      %reduce_sum3A_151 = vector.broadcast %reduce_sum3A : i1 to vector<16xi1>
      %reduce_sum3A_152 = tpu.scan <sum>, %get3A_150 masked %reduce_sum3A_151 : vector<16xi32>, vector<16xi1> -> vector<16xi32>
      %reduce_sum3A_153 = vector.extract %reduce_sum3A_152[15] : i32 from vector<16xi32>
      %add3A_154 = arith.addi %scan3A_147, %reduce_sum3A_153 : i32
      scf.yield %add3A_154 : i32
    }
    %scan3A_40 = arith.constant 128 : i32
    %sub3A_41 = arith.constant 2048 : i32
    %sub3A_42 = arith.subi %sub3A_41, %scan3A_39 : i32
    %iota3A = tpu.iota {dimensions = array<i32: 0>} : vector<16xi32>
    %scan3A_43 = arith.constant 0 : i32
    %scan3A_44 = arith.constant 0 : i32
    %scan3A_45 = arith.constant 128 : i32
    %scan3A_46 = arith.addi %scan3A_44, %scan3A_45 : i32
    %scan3A_47 = arith.constant 1 : i32
    %scan3A_48 = scf.for %scan3A_146 = %scan3A_44 to %scan3A_46 step %scan3A_47 iter_args(%scan3A_147 = %scan3A_43) -> (i32)  : i32 {
      %mul3A_148 = arith.constant 16 : i32
      %mul3A_149 = arith.muli %scan3A_146, %mul3A_148 : i32
      %get3A = arith.index_cast %mul3A_149 : i32 to index
      %get3A_150 = tpu.vector_load %arg6[%get3A] {strides = array<i32>} : memref<2048xi32, #tpu.memory_space<vmem>>, vector<16xi32>,
      %cumsum3A = arith.constant true
      %cumsum3A_151 = vector.broadcast %cumsum3A : i1 to vector<16xi1>
      %cumsum3A_152 = tpu.scan <sum>, %get3A_150 masked %cumsum3A_151 : vector<16xi32>, vector<16xi1> -> vector<16xi32>
      %add3A_153 = vector.broadcast %scan3A_147 : i32 to vector<16xi32>
      %add3A_154 = arith.addi %cumsum3A_152, %add3A_153 : vector<16xi32>
      %mul3A_155 = arith.constant 16 : i32
      %mul3A_156 = arith.muli %scan3A_146, %mul3A_155 : i32
      %add3A_157 = vector.broadcast %mul3A_156 : i32 to vector<16xi32>
      %add3A_158 = arith.addi %iota3A, %add3A_157 : vector<16xi32>
      %gt3A_159 = arith.constant 0 : i32
      %gt3A_160 = vector.broadcast %gt3A_159 : i32 to vector<16xi32>
      %gt3A_161 = arith.cmpi sgt, %get3A_150, %gt3A_160 : vector<16xi32>
      %sub3A_162 = arith.constant 1 : i32
      %sub3A_163 = arith.subi %sub3A_42, %sub3A_162 : i32
      %add3A_164 = vector.broadcast %sub3A_163 : i32 to vector<16xi32>
      %add3A_165 = arith.addi %add3A_164, %add3A_154 : vector<16xi32>
      %sub3A_166 = arith.subi %add3A_158, %add3A_154 : vector<16xi32>
      %select_n3A_167 = arith.select %gt3A_161, %add3A_165, %sub3A_166 : vector<16xi1>, vector<16xi32>
      %add3A_168 = arith.constant 1 : i32
      %add3A_169 = vector.broadcast %add3A_168 : i32 to vector<16xi32>
      %add3A_170 = arith.addi %select_n3A_167, %add3A_169 : vector<16xi32>
      %add3A_171 = vector.broadcast %mul3A_32 : i32 to vector<16xi32>
      %add3A_172 = arith.addi %add3A_158, %add3A_171 : vector<16xi32>
      tpu.vector_store_idx %arg7[%add3A_170], %add3A_172 : memref<2096xi32, #tpu.memory_space<vmem>>[vector<16xi32>], vector<16xi32>,
      %reduce_sum3A = arith.constant true
      %reduce_sum3A_173 = vector.broadcast %reduce_sum3A : i1 to vector<16xi1>
      %reduce_sum3A_174 = tpu.scan <sum>, %get3A_150 masked %reduce_sum3A_173 : vector<16xi32>, vector<16xi1> -> vector<16xi32>
      %reduce_sum3A_175 = vector.extract %reduce_sum3A_174[15] : i32 from vector<16xi32>
      %add3A_176 = arith.addi %scan3A_147, %reduce_sum3A_175 : i32
      scf.yield %add3A_176 : i32
    }
    %scan3A_49 = arith.constant 128 : i32
    %mul3A_50 = arith.constant 2 : i32
    %mul3A_51 = arith.muli %mul3A_50, %sub3A_42 : i32
    %parallel_loop3A_52 = arith.constant 0 : i32
    %parallel_loop3A_53 = arith.constant 128 : i32
    %parallel_loop3A_54 = arith.constant 1 : i32
    scf.for %parallel_loop3A_146 = %parallel_loop3A_52 to %parallel_loop3A_53 step %parallel_loop3A_54  : i32 {
      %parallel_loop3A_147 = arith.constant 16 : i32
      %parallel_loop3A_148 = arith.muli %parallel_loop3A_146, %parallel_loop3A_147 : i32
      %parallel_loop3A_149 = arith.constant 2048 : i32
      %parallel_loop3A_150 = arith.muli %select_n3A_30, %parallel_loop3A_149 : i32
      %parallel_loop3A_151 = arith.addi %parallel_loop3A_148, %parallel_loop3A_150 : i32
      %parallel_loop3A_152 = vector.broadcast %parallel_loop3A_151 : i32 to vector<16xi32>
      %parallel_loop3A_153 = arith.addi %iota3A, %parallel_loop3A_152 : vector<16xi32>
      %parallel_loop3A_154 = vector.broadcast %mul3A_51 : i32 to vector<16xi32>
      %parallel_loop3A_155 = arith.cmpi sge, %parallel_loop3A_153, %parallel_loop3A_154 : vector<16xi32>
      %parallel_loop3A_156 = arith.extui %parallel_loop3A_155 : vector<16xi1> to vector<16xi32>
      %parallel_loop3A_157 = arith.constant 16 : i32
      %parallel_loop3A_158 = arith.muli %parallel_loop3A_146, %parallel_loop3A_157 : i32
      %parallel_loop3A_159 = arith.index_cast %parallel_loop3A_158 : i32 to index
      %parallel_loop3A_160 = tpu.vector_load %arg8[%parallel_loop3A_159] {strides = array<i32>} : memref<2048xi32, #tpu.memory_space<vmem>>, vector<16xi32>,
      tpu.vector_store %arg8[%parallel_loop3A_159], %parallel_loop3A_156 {strides = array<i32>} : memref<2048xi32, #tpu.memory_space<vmem>>, vector<16xi32>,
    } {sc.loop_unroll_factor = 8 : i64, sc.parallel_access}
    %mul3A_55 = arith.constant 4096 : i32
    %mul3A_56 = arith.muli %select_n3A, %mul3A_55 : i32
    %mul3A_57 = arith.constant 2048 : i32
    %mul3A_58 = arith.muli %select_n3A_30, %mul3A_57 : i32
    %add3A_59 = arith.addi %mul3A_56, %mul3A_58 : i32
    "tpu.region"() ({
      %run_scoped3A = tpu.sem_alloc : memref<!tpu.dma_semaphore, #tpu.memory_space<semaphore_mem>>
      %dma_start3A = tpu.memref_slice %arg5[%add3A_59] : memref<65536xi32, #tpu.memory_space<hbm>> -> memref<2048xi32, #tpu.memory_space<hbm>>
      %dma_start3A_146 = tpu.memref_slice %arg5[%add3A_59] : memref<65536xi32, #tpu.memory_space<hbm>> -> memref<2048xi32, #tpu.memory_space<hbm>>
      tpu.enqueue_dma source(%arg8 : memref<2048xi32, #tpu.memory_space<vmem>>) target(%dma_start3A_146 : memref<2048xi32, #tpu.memory_space<hbm>>) target_semaphore(%run_scoped3A : memref<!tpu.dma_semaphore, #tpu.memory_space<semaphore_mem>>)
      %dma_wait3A_147 = tpu.memref_slice %arg5[%add3A_59] : memref<65536xi32, #tpu.memory_space<hbm>> -> memref<2048xi32, #tpu.memory_space<hbm>>
      %dma_wait3A_148 = tpu.memref_slice %arg5[%add3A_59] : memref<65536xi32, #tpu.memory_space<hbm>> -> memref<2048xi32, #tpu.memory_space<hbm>>
      tpu.wait_dma2 semaphore(%run_scoped3A : memref<!tpu.dma_semaphore, #tpu.memory_space<semaphore_mem>>) src(%arg8 : memref<2048xi32, #tpu.memory_space<vmem>>) dst(%dma_wait3A_148 : memref<2048xi32, #tpu.memory_space<hbm>>)
      tpu.yield
    }) : () -> ()
    %broadcast_in_dim3A_60 = arith.constant 0.000000e+00 : f32
    %broadcast_in_dim3A_61 = vector.broadcast %broadcast_in_dim3A_60 : f32 to vector<16xf32>
    %parallel_loop3A_62 = arith.constant 0 : i32
    %parallel_loop3A_63 = arith.constant 1536 : i32
    %parallel_loop3A_64 = arith.constant 1 : i32
    scf.for %parallel_loop3A_146 = %parallel_loop3A_62 to %parallel_loop3A_63 step %parallel_loop3A_64  : i32 {
      %parallel_loop3A_147 = arith.constant 64 : i32
      %parallel_loop3A_148 = arith.divsi %parallel_loop3A_146, %parallel_loop3A_147 : i32
      %parallel_loop3A_149 = arith.constant 0 : i32
      %parallel_loop3A_150 = arith.cmpi sgt, %parallel_loop3A_146, %parallel_loop3A_149 : i32
      %parallel_loop3A_151 = arith.extui %parallel_loop3A_150 : i1 to i32
      %parallel_loop3A_152 = arith.constant 0 : i32
      %parallel_loop3A_153 = arith.cmpi slt, %parallel_loop3A_146, %parallel_loop3A_152 : i32
      %parallel_loop3A_154 = arith.extui %parallel_loop3A_153 : i1 to i32
      %parallel_loop3A_155 = arith.subi %parallel_loop3A_151, %parallel_loop3A_154 : i32
      %parallel_loop3A_156 = arith.constant 0 : i32
      %parallel_loop3A_157 = arith.cmpi sgt, %parallel_loop3A_147, %parallel_loop3A_156 : i32
      %parallel_loop3A_158 = arith.extui %parallel_loop3A_157 : i1 to i32
      %parallel_loop3A_159 = arith.constant 0 : i32
      %parallel_loop3A_160 = arith.cmpi slt, %parallel_loop3A_147, %parallel_loop3A_159 : i32
      %parallel_loop3A_161 = arith.extui %parallel_loop3A_160 : i1 to i32
      %parallel_loop3A_162 = arith.subi %parallel_loop3A_158, %parallel_loop3A_161 : i32
      %parallel_loop3A_163 = arith.cmpi ne, %parallel_loop3A_155, %parallel_loop3A_162 : i32
      %parallel_loop3A_164 = arith.remsi %parallel_loop3A_146, %parallel_loop3A_147 : i32
      %parallel_loop3A_165 = arith.constant 0 : i32
      %parallel_loop3A_166 = arith.cmpi ne, %parallel_loop3A_164, %parallel_loop3A_165 : i32
      %parallel_loop3A_167 = arith.andi %parallel_loop3A_163, %parallel_loop3A_166 : i1
      %parallel_loop3A_168 = arith.constant 1 : i32
      %parallel_loop3A_169 = arith.subi %parallel_loop3A_148, %parallel_loop3A_168 : i32
      %parallel_loop3A_170 = arith.select %parallel_loop3A_167, %parallel_loop3A_169, %parallel_loop3A_148 : i32
      %parallel_loop3A_171 = arith.constant 64 : i32
      %parallel_loop3A_172 = arith.constant 0 : i32
      %parallel_loop3A_173 = arith.cmpi eq, %parallel_loop3A_171, %parallel_loop3A_172 : i32
      %parallel_loop3A_174 = arith.constant 1 : i32
      %parallel_loop3A_175 = arith.select %parallel_loop3A_173, %parallel_loop3A_174, %parallel_loop3A_171 : i32
      %parallel_loop3A_176 = arith.remsi %parallel_loop3A_146, %parallel_loop3A_175 : i32
      %parallel_loop3A_177 = arith.constant 0 : i32
      %parallel_loop3A_178 = arith.cmpi ne, %parallel_loop3A_176, %parallel_loop3A_177 : i32
      %parallel_loop3A_179 = arith.constant 0 : i32
      %parallel_loop3A_180 = arith.cmpi slt, %parallel_loop3A_176, %parallel_loop3A_179 : i32
      %parallel_loop3A_181 = arith.constant 0 : i32
      %parallel_loop3A_182 = arith.cmpi slt, %parallel_loop3A_175, %parallel_loop3A_181 : i32
      %parallel_loop3A_183 = arith.xori %parallel_loop3A_180, %parallel_loop3A_182 : i1
      %parallel_loop3A_184 = arith.andi %parallel_loop3A_183, %parallel_loop3A_178 : i1
      %parallel_loop3A_185 = arith.addi %parallel_loop3A_176, %parallel_loop3A_175 : i32
      %parallel_loop3A_186 = arith.select %parallel_loop3A_184, %parallel_loop3A_185, %parallel_loop3A_176 : i32
      %parallel_loop3A_187 = arith.constant 16 : i32
      %parallel_loop3A_188 = arith.muli %parallel_loop3A_186, %parallel_loop3A_187 : i32
      %parallel_loop3A_189 = arith.index_cast %parallel_loop3A_170 : i32 to index
      %parallel_loop3A_190 = arith.index_cast %parallel_loop3A_188 : i32 to index
      %parallel_loop3A_191 = tpu.vector_load %arg9[%parallel_loop3A_189, %parallel_loop3A_190] {strides = array<i32>} : memref<24x1024xf32, #tpu.memory_space<vmem>>, vector<16xf32>,
      tpu.vector_store %arg9[%parallel_loop3A_189, %parallel_loop3A_190], %broadcast_in_dim3A_61 {strides = array<i32>} : memref<24x1024xf32, #tpu.memory_space<vmem>>, vector<16xf32>,
      %parallel_loop3A_192 = arith.index_cast %parallel_loop3A_170 : i32 to index
      %parallel_loop3A_193 = arith.index_cast %parallel_loop3A_188 : i32 to index
      %parallel_loop3A_194 = tpu.vector_load %arg10[%parallel_loop3A_192, %parallel_loop3A_193] {strides = array<i32>} : memref<24x1024xf32, #tpu.memory_space<vmem>>, vector<16xf32>,
      tpu.vector_store %arg10[%parallel_loop3A_192, %parallel_loop3A_193], %broadcast_in_dim3A_61 {strides = array<i32>} : memref<24x1024xf32, #tpu.memory_space<vmem>>, vector<16xf32>,
    } {sc.loop_unroll_factor = 8 : i64, sc.parallel_access}
    %mul3A_65 = arith.constant 2 : i32
    %mul3A_66 = arith.constant 0 : i32
    %mul3A_67 = arith.muli %mul3A_65, %mul3A_66 : i32
    %add3A_68 = arith.addi %mul3A_67, %select_n3A_30 : i32
    %mul3A_69 = arith.constant 16 : i32
    %mul3A_70 = arith.muli %add3A_68, %mul3A_69 : i32
    %min3A = arith.constant 2032 : i32
    %min3A_71 = arith.minsi %mul3A_70, %min3A : i32
    %add3A_72 = arith.constant 16 : i32
    %add3A_73 = arith.addi %min3A_71, %add3A_72 : i32
    %sub3A_74 = arith.constant 1 : i32
    %sub3A_75 = arith.subi %sub3A_42, %sub3A_74 : i32
    %gt3A = arith.cmpi sgt, %add3A_73, %sub3A_75 : i32
    %convert_element_type3A = arith.extui %gt3A : i1 to i32
    %cond3A = arith.constant 0 : i32
    %cond3A_76 = arith.constant 0 : i32
    %cond3A_77 = arith.cmpi ne, %convert_element_type3A, %cond3A_76 : i32
    scf.if %cond3A_77 {
      %mul3A_146 = arith.constant 2 : i32
      %mul3A_147 = arith.muli %mul3A_146, %cond3A : i32
      %add3A_148 = arith.addi %mul3A_147, %select_n3A_30 : i32
      %mul3A_149 = arith.constant 16 : i32
      %mul3A_150 = arith.muli %add3A_148, %mul3A_149 : i32
      %min3A_151 = arith.constant 2032 : i32
      %min3A_152 = arith.minsi %mul3A_150, %min3A_151 : i32
      %dma_start3A = tpu.memref_slice %arg7[%min3A_152] : memref<2096xi32, #tpu.memory_space<vmem>> -> memref<24xi32, #tpu.memory_space<vmem>>
      %dma_start3A_153 = arith.constant 0 : i32
      %dma_start3A_154 = arith.constant 0 : i32
      %dma_start3A_155 = tpu.memref_slice %arg2[%dma_start3A_153, %dma_start3A_154] : memref<32768x1024xf32, #tpu.memory_space<hbm>> -> memref<32768x1024xf32, #tpu.memory_space<hbm>>
      tpu.enqueue_indirect_dma source(%dma_start3A_155 : memref<32768x1024xf32, #tpu.memory_space<hbm>>) target(%arg9 : memref<24x1024xf32, #tpu.memory_space<vmem>>) offsets(%dma_start3A : memref<24xi32, #tpu.memory_space<vmem>>) semaphore(%arg13 : memref<!tpu.dma_semaphore, #tpu.memory_space<semaphore_mem>>)
    } else {
    }
    %mul3A_78 = arith.constant 2 : i32
    %mul3A_79 = arith.constant 1 : i32
    %mul3A_80 = arith.muli %mul3A_78, %mul3A_79 : i32
    %add3A_81 = arith.addi %mul3A_80, %select_n3A_30 : i32
    %mul3A_82 = arith.constant 16 : i32
    %mul3A_83 = arith.muli %add3A_81, %mul3A_82 : i32
    %min3A_84 = arith.constant 2032 : i32
    %min3A_85 = arith.minsi %mul3A_83, %min3A_84 : i32
    %add3A_86 = arith.constant 16 : i32
    %add3A_87 = arith.addi %min3A_85, %add3A_86 : i32
    %sub3A_88 = arith.constant 1 : i32
    %sub3A_89 = arith.subi %sub3A_42, %sub3A_88 : i32
    %gt3A_90 = arith.cmpi sgt, %add3A_87, %sub3A_89 : i32
    %convert_element_type3A_91 = arith.extui %gt3A_90 : i1 to i32
    %cond3A_92 = arith.constant 1 : i32
    %cond3A_93 = arith.constant 0 : i32
    %cond3A_94 = arith.cmpi ne, %convert_element_type3A_91, %cond3A_93 : i32
    scf.if %cond3A_94 {
      %mul3A_146 = arith.constant 2 : i32
      %mul3A_147 = arith.muli %mul3A_146, %cond3A_92 : i32
      %add3A_148 = arith.addi %mul3A_147, %select_n3A_30 : i32
      %mul3A_149 = arith.constant 16 : i32
      %mul3A_150 = arith.muli %add3A_148, %mul3A_149 : i32
      %min3A_151 = arith.constant 2032 : i32
      %min3A_152 = arith.minsi %mul3A_150, %min3A_151 : i32
      %dma_start3A = tpu.memref_slice %arg7[%min3A_152] : memref<2096xi32, #tpu.memory_space<vmem>> -> memref<24xi32, #tpu.memory_space<vmem>>
      %dma_start3A_153 = arith.constant 0 : i32
      %dma_start3A_154 = arith.constant 0 : i32
      %dma_start3A_155 = tpu.memref_slice %arg2[%dma_start3A_153, %dma_start3A_154] : memref<32768x1024xf32, #tpu.memory_space<hbm>> -> memref<32768x1024xf32, #tpu.memory_space<hbm>>
      tpu.enqueue_indirect_dma source(%dma_start3A_155 : memref<32768x1024xf32, #tpu.memory_space<hbm>>) target(%arg10 : memref<24x1024xf32, #tpu.memory_space<vmem>>) offsets(%dma_start3A : memref<24xi32, #tpu.memory_space<vmem>>) semaphore(%arg14 : memref<!tpu.dma_semaphore, #tpu.memory_space<semaphore_mem>>)
    } else {
    }
    %scan3A_95 = arith.constant 0 : i32
    %scan3A_96 = arith.constant 0 : i32
    %scan3A_97 = arith.constant 32 : i32
    %scan3A_98 = arith.addi %scan3A_96, %scan3A_97 : i32
    %scan3A_99 = arith.constant 1 : i32
    scf.for %scan3A_146 = %scan3A_96 to %scan3A_98 step %scan3A_99  : i32 {
      %mul3A_147 = arith.constant 2 : i32
      %mul3A_148 = arith.muli %mul3A_147, %scan3A_146 : i32
      %add3A_149 = arith.constant 0 : i32
      %add3A_150 = arith.addi %mul3A_148, %add3A_149 : i32
      %mul3A_151 = arith.constant 2 : i32
      %mul3A_152 = arith.muli %mul3A_151, %add3A_150 : i32
      %add3A_153 = arith.addi %mul3A_152, %select_n3A_30 : i32
      %mul3A_154 = arith.constant 16 : i32
      %mul3A_155 = arith.muli %add3A_153, %mul3A_154 : i32
      %mul3A_156 = arith.constant 2 : i32
      %mul3A_157 = arith.muli %mul3A_156, %add3A_150 : i32
      %add3A_158 = arith.addi %mul3A_157, %select_n3A_30 : i32
      %mul3A_159 = arith.constant 16 : i32
      %mul3A_160 = arith.muli %add3A_158, %mul3A_159 : i32
      %min3A_161 = arith.constant 2032 : i32
      %min3A_162 = arith.minsi %mul3A_160, %min3A_161 : i32
      %add3A_163 = arith.constant 16 : i32
      %add3A_164 = arith.addi %min3A_162, %add3A_163 : i32
      %sub3A_165 = arith.constant 1 : i32
      %sub3A_166 = arith.subi %sub3A_42, %sub3A_165 : i32
      %gt3A_167 = arith.cmpi sgt, %add3A_164, %sub3A_166 : i32
      %convert_element_type3A_168 = arith.extui %gt3A_167 : i1 to i32
      %cond3A_169 = arith.constant 0 : i32
      %cond3A_170 = arith.cmpi ne, %convert_element_type3A_168, %cond3A_169 : i32
      scf.if %cond3A_170 {
        %mul3A_267 = arith.constant 2 : i32
        %mul3A_268 = arith.muli %mul3A_267, %add3A_150 : i32
        %add3A_269 = arith.addi %mul3A_268, %select_n3A_30 : i32
        %mul3A_270 = arith.constant 16 : i32
        %mul3A_271 = arith.muli %add3A_269, %mul3A_270 : i32
        %min3A_272 = arith.constant 2032 : i32
        %min3A_273 = arith.minsi %mul3A_271, %min3A_272 : i32
        %dma_wait3A_274 = tpu.memref_slice %arg7[%min3A_273] : memref<2096xi32, #tpu.memory_space<vmem>> -> memref<24xi32, #tpu.memory_space<vmem>>
        %dma_wait3A_275 = arith.constant 0 : i32
        %dma_wait3A_276 = arith.constant 0 : i32
        %dma_wait3A_277 = tpu.memref_slice %arg2[%dma_wait3A_275, %dma_wait3A_276] : memref<32768x1024xf32, #tpu.memory_space<hbm>> -> memref<32768x1024xf32, #tpu.memory_space<hbm>>
        tpu.wait_indirect_dma semaphore(%arg13 : memref<!tpu.dma_semaphore, #tpu.memory_space<semaphore_mem>>) src(%dma_wait3A_277 : memref<32768x1024xf32, #tpu.memory_space<hbm>>) dst(%arg9 : memref<24x1024xf32, #tpu.memory_space<vmem>>)
      } else {
      }
      %ge3A = arith.constant 1 : i32
      %ge3A_171 = arith.cmpi sge, %scan3A_146, %ge3A : i32
      %convert_element_type3A_172 = arith.extui %ge3A_171 : i1 to i32
      %cond3A_173 = arith.constant 0 : i32
      %cond3A_174 = arith.cmpi ne, %convert_element_type3A_172, %cond3A_173 : i32
      scf.if %cond3A_174 {
        %dma_wait3A_267 = arith.constant 0 : i32
        %dma_wait3A_268 = arith.constant 0 : i32
        %dma_wait3A_269 = tpu.memref_slice %arg4[%dma_wait3A_267, %dma_wait3A_268] : memref<65536x1024xf32, #tpu.memory_space<hbm>> -> memref<32x1024xf32, #tpu.memory_space<hbm>>
        %dma_wait3A_270 = arith.constant 0 : i32
        %dma_wait3A_271 = arith.constant 0 : i32
        %dma_wait3A_272 = tpu.memref_slice %arg4[%dma_wait3A_270, %dma_wait3A_271] : memref<65536x1024xf32, #tpu.memory_space<hbm>> -> memref<32x1024xf32, #tpu.memory_space<hbm>>
        tpu.wait_dma2 semaphore(%arg15 : memref<!tpu.dma_semaphore, #tpu.memory_space<semaphore_mem>>) src(%arg11 : memref<32x1024xf32, #tpu.memory_space<vmem>>) dst(%dma_wait3A_272 : memref<32x1024xf32, #tpu.memory_space<hbm>>)
      } else {
      }
      %scan3A_175 = arith.constant 0 : i32
      %scan3A_176 = arith.constant 0 : i32
      %scan3A_177 = arith.constant 8 : i32
      %scan3A_178 = arith.addi %scan3A_176, %scan3A_177 : i32
      %scan3A_179 = arith.constant 1 : i32
      scf.for %scan3A_267 = %scan3A_176 to %scan3A_178 step %scan3A_179  : i32 {
        %mul3A_268 = arith.constant 2 : i32
        %mul3A_269 = arith.muli %mul3A_268, %scan3A_267 : i32
        %add3A_270 = arith.addi %mul3A_155, %mul3A_269 : i32
        %convert_element_type3A_271 = arith.sitofp %add3A_270 : i32 to f32
        %mul3A_272 = arith.constant 2.44200259E-4 : f32
        %mul3A_273 = arith.mulf %convert_element_type3A_271, %mul3A_272 : f32
        %add3A_274 = arith.constant 1 : i32
        %add3A_275 = arith.addi %sub3A_42, %add3A_274 : i32
        %ge3A_276 = arith.cmpi sge, %add3A_270, %add3A_275 : i32
        %jit3A_277 = arith.constant 0.000000e+00 : f32
        %select_n3A_278 = arith.select %ge3A_276, %mul3A_273, %jit3A_277 : f32
        %ge3A_279 = arith.cmpi sge, %add3A_270, %sub3A_42 : i32
        %sub3A_280 = arith.constant 1.000000e+00 : f32
        %sub3A_281 = arith.subf %sub3A_280, %mul3A_273 : f32
        %jit3A_282 = arith.constant 0.000000e+00 : f32
        %select_n3A_283 = arith.select %ge3A_279, %sub3A_281, %jit3A_282 : f32
        %ge3A_284 = arith.cmpi sge, %add3A_270, %sub3A_42 : i32
        %add3A_285 = arith.constant 2.048000e+03 : f32
        %add3A_286 = arith.addf %convert_element_type3A_271, %add3A_285 : f32
        %mul3A_287 = arith.constant 2.44200259E-4 : f32
        %mul3A_288 = arith.mulf %add3A_286, %mul3A_287 : f32
        %jit3A_289 = arith.constant 0.000000e+00 : f32
        %select_n3A_290 = arith.select %ge3A_284, %mul3A_288, %jit3A_289 : f32
        %sub3A_291 = arith.constant 1 : i32
        %sub3A_292 = arith.subi %sub3A_42, %sub3A_291 : i32
        %ge3A_293 = arith.cmpi sge, %add3A_270, %sub3A_292 : i32
        %sub3A_294 = arith.constant 2.047000e+03 : f32
        %sub3A_295 = arith.subf %sub3A_294, %convert_element_type3A_271 : f32
        %mul3A_296 = arith.constant 2.44200259E-4 : f32
        %mul3A_297 = arith.mulf %sub3A_295, %mul3A_296 : f32
        %jit3A_298 = arith.constant 0.000000e+00 : f32
        %select_n3A_299 = arith.select %ge3A_293, %mul3A_297, %jit3A_298 : f32
        %broadcast_in_dim3A_300 = vector.broadcast %select_n3A_278 : f32 to vector<16xf32>
        %broadcast_in_dim3A_301 = vector.broadcast %select_n3A_283 : f32 to vector<16xf32>
        %broadcast_in_dim3A_302 = vector.broadcast %select_n3A_290 : f32 to vector<16xf32>
        %broadcast_in_dim3A_303 = vector.broadcast %select_n3A_299 : f32 to vector<16xf32>
        %add3A_304 = arith.constant 1 : i32
        %add3A_305 = arith.addi %add3A_270, %add3A_304 : i32
        %convert_element_type3A_306 = arith.sitofp %add3A_305 : i32 to f32
        %mul3A_307 = arith.constant 2.44200259E-4 : f32
        %mul3A_308 = arith.mulf %convert_element_type3A_306, %mul3A_307 : f32
        %add3A_309 = arith.constant 1 : i32
        %add3A_310 = arith.addi %sub3A_42, %add3A_309 : i32
        %ge3A_311 = arith.cmpi sge, %add3A_305, %add3A_310 : i32
        %jit3A_312 = arith.constant 0.000000e+00 : f32
        %select_n3A_313 = arith.select %ge3A_311, %mul3A_308, %jit3A_312 : f32
        %ge3A_314 = arith.cmpi sge, %add3A_305, %sub3A_42 : i32
        %sub3A_315 = arith.constant 1.000000e+00 : f32
        %sub3A_316 = arith.subf %sub3A_315, %mul3A_308 : f32
        %jit3A_317 = arith.constant 0.000000e+00 : f32
        %select_n3A_318 = arith.select %ge3A_314, %sub3A_316, %jit3A_317 : f32
        %ge3A_319 = arith.cmpi sge, %add3A_305, %sub3A_42 : i32
        %add3A_320 = arith.constant 2.048000e+03 : f32
        %add3A_321 = arith.addf %convert_element_type3A_306, %add3A_320 : f32
        %mul3A_322 = arith.constant 2.44200259E-4 : f32
        %mul3A_323 = arith.mulf %add3A_321, %mul3A_322 : f32
        %jit3A_324 = arith.constant 0.000000e+00 : f32
        %select_n3A_325 = arith.select %ge3A_319, %mul3A_323, %jit3A_324 : f32
        %sub3A_326 = arith.constant 1 : i32
        %sub3A_327 = arith.subi %sub3A_42, %sub3A_326 : i32
        %ge3A_328 = arith.cmpi sge, %add3A_305, %sub3A_327 : i32
        %sub3A_329 = arith.constant 2.047000e+03 : f32
        %sub3A_330 = arith.subf %sub3A_329, %convert_element_type3A_306 : f32
        %mul3A_331 = arith.constant 2.44200259E-4 : f32
        %mul3A_332 = arith.mulf %sub3A_330, %mul3A_331 : f32
        %jit3A_333 = arith.constant 0.000000e+00 : f32
        %select_n3A_334 = arith.select %ge3A_328, %mul3A_332, %jit3A_333 : f32
        %broadcast_in_dim3A_335 = vector.broadcast %select_n3A_313 : f32 to vector<16xf32>
        %broadcast_in_dim3A_336 = vector.broadcast %select_n3A_318 : f32 to vector<16xf32>
        %broadcast_in_dim3A_337 = vector.broadcast %select_n3A_325 : f32 to vector<16xf32>
        %broadcast_in_dim3A_338 = vector.broadcast %select_n3A_334 : f32 to vector<16xf32>
        %parallel_loop3A_339 = arith.constant 0 : i32
        %parallel_loop3A_340 = arith.constant 64 : i32
        %parallel_loop3A_341 = arith.constant 1 : i32
        scf.for %parallel_loop3A_342 = %parallel_loop3A_339 to %parallel_loop3A_340 step %parallel_loop3A_341  : i32 {
          %parallel_loop3A_343 = arith.constant 16 : i32
          %parallel_loop3A_344 = arith.muli %parallel_loop3A_342, %parallel_loop3A_343 : i32
          %parallel_loop3A_345 = arith.index_cast %mul3A_269 : i32 to index
          %parallel_loop3A_346 = arith.index_cast %parallel_loop3A_344 : i32 to index
          %parallel_loop3A_347 = tpu.vector_load %arg9[%parallel_loop3A_345, %parallel_loop3A_346] {strides = array<i32>} : memref<24x1024xf32, #tpu.memory_space<vmem>>, vector<16xf32>,
          %parallel_loop3A_348 = arith.constant 1 : i32
          %parallel_loop3A_349 = arith.addi %mul3A_269, %parallel_loop3A_348 : i32
          %parallel_loop3A_350 = arith.index_cast %parallel_loop3A_349 : i32 to index
          %parallel_loop3A_351 = arith.index_cast %parallel_loop3A_344 : i32 to index
          %parallel_loop3A_352 = tpu.vector_load %arg9[%parallel_loop3A_350, %parallel_loop3A_351] {strides = array<i32>} : memref<24x1024xf32, #tpu.memory_space<vmem>>, vector<16xf32>,
          %parallel_loop3A_353 = arith.constant 2 : i32
          %parallel_loop3A_354 = arith.addi %mul3A_269, %parallel_loop3A_353 : i32
          %parallel_loop3A_355 = arith.index_cast %parallel_loop3A_354 : i32 to index
          %parallel_loop3A_356 = arith.index_cast %parallel_loop3A_344 : i32 to index
          %parallel_loop3A_357 = tpu.vector_load %arg9[%parallel_loop3A_355, %parallel_loop3A_356] {strides = array<i32>} : memref<24x1024xf32, #tpu.memory_space<vmem>>, vector<16xf32>,
          %parallel_loop3A_358 = arith.constant 3 : i32
          %parallel_loop3A_359 = arith.addi %mul3A_269, %parallel_loop3A_358 : i32
          %parallel_loop3A_360 = arith.index_cast %parallel_loop3A_359 : i32 to index
          %parallel_loop3A_361 = arith.index_cast %parallel_loop3A_344 : i32 to index
          %parallel_loop3A_362 = tpu.vector_load %arg9[%parallel_loop3A_360, %parallel_loop3A_361] {strides = array<i32>} : memref<24x1024xf32, #tpu.memory_space<vmem>>, vector<16xf32>,
          %parallel_loop3A_363 = arith.mulf %broadcast_in_dim3A_300, %parallel_loop3A_347 : vector<16xf32>
          %parallel_loop3A_364 = arith.mulf %broadcast_in_dim3A_301, %parallel_loop3A_352 : vector<16xf32>
          %parallel_loop3A_365 = arith.addf %parallel_loop3A_363, %parallel_loop3A_364 : vector<16xf32>
          %parallel_loop3A_366 = arith.constant 2 : i32
          %parallel_loop3A_367 = arith.muli %parallel_loop3A_366, %mul3A_269 : i32
          %parallel_loop3A_368 = arith.index_cast %parallel_loop3A_367 : i32 to index
          %parallel_loop3A_369 = arith.index_cast %parallel_loop3A_344 : i32 to index
          %parallel_loop3A_370 = tpu.vector_load %arg11[%parallel_loop3A_368, %parallel_loop3A_369] {strides = array<i32>} : memref<32x1024xf32, #tpu.memory_space<vmem>>, vector<16xf32>,
          tpu.vector_store %arg11[%parallel_loop3A_368, %parallel_loop3A_369], %parallel_loop3A_365 {strides = array<i32>} : memref<32x1024xf32, #tpu.memory_space<vmem>>, vector<16xf32>,
          %parallel_loop3A_371 = arith.mulf %broadcast_in_dim3A_302, %parallel_loop3A_352 : vector<16xf32>
          %parallel_loop3A_372 = arith.mulf %broadcast_in_dim3A_303, %parallel_loop3A_357 : vector<16xf32>
          %parallel_loop3A_373 = arith.addf %parallel_loop3A_371, %parallel_loop3A_372 : vector<16xf32>
          %parallel_loop3A_374 = arith.constant 2 : i32
          %parallel_loop3A_375 = arith.muli %parallel_loop3A_374, %mul3A_269 : i32
          %parallel_loop3A_376 = arith.constant 1 : i32
          %parallel_loop3A_377 = arith.addi %parallel_loop3A_375, %parallel_loop3A_376 : i32
          %parallel_loop3A_378 = arith.index_cast %parallel_loop3A_377 : i32 to index
          %parallel_loop3A_379 = arith.index_cast %parallel_loop3A_344 : i32 to index
          %parallel_loop3A_380 = tpu.vector_load %arg11[%parallel_loop3A_378, %parallel_loop3A_379] {strides = array<i32>} : memref<32x1024xf32, #tpu.memory_space<vmem>>, vector<16xf32>,
          tpu.vector_store %arg11[%parallel_loop3A_378, %parallel_loop3A_379], %parallel_loop3A_373 {strides = array<i32>} : memref<32x1024xf32, #tpu.memory_space<vmem>>, vector<16xf32>,
          %parallel_loop3A_381 = arith.mulf %broadcast_in_dim3A_335, %parallel_loop3A_352 : vector<16xf32>
          %parallel_loop3A_382 = arith.mulf %broadcast_in_dim3A_336, %parallel_loop3A_357 : vector<16xf32>
          %parallel_loop3A_383 = arith.addf %parallel_loop3A_381, %parallel_loop3A_382 : vector<16xf32>
          %parallel_loop3A_384 = arith.constant 2 : i32
          %parallel_loop3A_385 = arith.muli %parallel_loop3A_384, %mul3A_269 : i32
          %parallel_loop3A_386 = arith.constant 2 : i32
          %parallel_loop3A_387 = arith.addi %parallel_loop3A_385, %parallel_loop3A_386 : i32
          %parallel_loop3A_388 = arith.index_cast %parallel_loop3A_387 : i32 to index
          %parallel_loop3A_389 = arith.index_cast %parallel_loop3A_344 : i32 to index
          %parallel_loop3A_390 = tpu.vector_load %arg11[%parallel_loop3A_388, %parallel_loop3A_389] {strides = array<i32>} : memref<32x1024xf32, #tpu.memory_space<vmem>>, vector<16xf32>,
          tpu.vector_store %arg11[%parallel_loop3A_388, %parallel_loop3A_389], %parallel_loop3A_383 {strides = array<i32>} : memref<32x1024xf32, #tpu.memory_space<vmem>>, vector<16xf32>,
          %parallel_loop3A_391 = arith.mulf %broadcast_in_dim3A_337, %parallel_loop3A_357 : vector<16xf32>
          %parallel_loop3A_392 = arith.mulf %broadcast_in_dim3A_338, %parallel_loop3A_362 : vector<16xf32>
          %parallel_loop3A_393 = arith.addf %parallel_loop3A_391, %parallel_loop3A_392 : vector<16xf32>
          %parallel_loop3A_394 = arith.constant 2 : i32
          %parallel_loop3A_395 = arith.muli %parallel_loop3A_394, %mul3A_269 : i32
          %parallel_loop3A_396 = arith.constant 3 : i32
          %parallel_loop3A_397 = arith.addi %parallel_loop3A_395, %parallel_loop3A_396 : i32
          %parallel_loop3A_398 = arith.index_cast %parallel_loop3A_397 : i32 to index
          %parallel_loop3A_399 = arith.index_cast %parallel_loop3A_344 : i32 to index
          %parallel_loop3A_400 = tpu.vector_load %arg11[%parallel_loop3A_398, %parallel_loop3A_399] {strides = array<i32>} : memref<32x1024xf32, #tpu.memory_space<vmem>>, vector<16xf32>,
          tpu.vector_store %arg11[%parallel_loop3A_398, %parallel_loop3A_399], %parallel_loop3A_393 {strides = array<i32>} : memref<32x1024xf32, #tpu.memory_space<vmem>>, vector<16xf32>,
        } {sc.loop_unroll_factor = 8 : i64, sc.parallel_access}
      }
      %scan3A_180 = arith.constant 8 : i32
      %mul3A_181 = arith.constant 4096 : i32
      %mul3A_182 = arith.muli %select_n3A, %mul3A_181 : i32
      %mul3A_183 = arith.constant 2 : i32
      %mul3A_184 = arith.muli %mul3A_183, %mul3A_155 : i32
      %add3A_185 = arith.addi %mul3A_182, %mul3A_184 : i32
      %dma_start3A = arith.constant 0 : i32
      %dma_start3A_186 = tpu.memref_slice %arg4[%add3A_185, %dma_start3A] : memref<65536x1024xf32, #tpu.memory_space<hbm>> -> memref<32x1024xf32, #tpu.memory_space<hbm>>
      %dma_start3A_187 = arith.constant 0 : i32
      %dma_start3A_188 = tpu.memref_slice %arg4[%add3A_185, %dma_start3A_187] : memref<65536x1024xf32, #tpu.memory_space<hbm>> -> memref<32x1024xf32, #tpu.memory_space<hbm>>
      tpu.enqueue_dma source(%arg11 : memref<32x1024xf32, #tpu.memory_space<vmem>>) target(%dma_start3A_188 : memref<32x1024xf32, #tpu.memory_space<hbm>>) target_semaphore(%arg15 : memref<!tpu.dma_semaphore, #tpu.memory_space<semaphore_mem>>)
      %add3A_189 = arith.constant 2 : i32
      %add3A_190 = arith.addi %add3A_150, %add3A_189 : i32
      %mul3A_191 = arith.constant 2 : i32
      %mul3A_192 = arith.muli %mul3A_191, %add3A_190 : i32
      %add3A_193 = arith.addi %mul3A_192, %select_n3A_30 : i32
      %mul3A_194 = arith.constant 16 : i32
      %mul3A_195 = arith.muli %add3A_193, %mul3A_194 : i32
      %min3A_196 = arith.constant 2032 : i32
      %min3A_197 = arith.minsi %mul3A_195, %min3A_196 : i32
      %add3A_198 = arith.constant 16 : i32
      %add3A_199 = arith.addi %min3A_197, %add3A_198 : i32
      %sub3A_200 = arith.constant 1 : i32
      %sub3A_201 = arith.subi %sub3A_42, %sub3A_200 : i32
      %gt3A_202 = arith.cmpi sgt, %add3A_199, %sub3A_201 : i32
      %convert_element_type3A_203 = arith.extui %gt3A_202 : i1 to i32
      %cond3A_204 = arith.constant 0 : i32
      %cond3A_205 = arith.cmpi ne, %convert_element_type3A_203, %cond3A_204 : i32
      scf.if %cond3A_205 {
        %mul3A_267 = arith.constant 2 : i32
        %mul3A_268 = arith.muli %mul3A_267, %add3A_190 : i32
        %add3A_269 = arith.addi %mul3A_268, %select_n3A_30 : i32
        %mul3A_270 = arith.constant 16 : i32
        %mul3A_271 = arith.muli %add3A_269, %mul3A_270 : i32
        %min3A_272 = arith.constant 2032 : i32
        %min3A_273 = arith.minsi %mul3A_271, %min3A_272 : i32
        %dma_start3A_274 = tpu.memref_slice %arg7[%min3A_273] : memref<2096xi32, #tpu.memory_space<vmem>> -> memref<24xi32, #tpu.memory_space<vmem>>
        %dma_start3A_275 = arith.constant 0 : i32
        %dma_start3A_276 = arith.constant 0 : i32
        %dma_start3A_277 = tpu.memref_slice %arg2[%dma_start3A_275, %dma_start3A_276] : memref<32768x1024xf32, #tpu.memory_space<hbm>> -> memref<32768x1024xf32, #tpu.memory_space<hbm>>
        tpu.enqueue_indirect_dma source(%dma_start3A_277 : memref<32768x1024xf32, #tpu.memory_space<hbm>>) target(%arg9 : memref<24x1024xf32, #tpu.memory_space<vmem>>) offsets(%dma_start3A_274 : memref<24xi32, #tpu.memory_space<vmem>>) semaphore(%arg13 : memref<!tpu.dma_semaphore, #tpu.memory_space<semaphore_mem>>)
      } else {
      }
      %mul3A_206 = arith.constant 2 : i32
      %mul3A_207 = arith.muli %mul3A_206, %scan3A_146 : i32
      %add3A_208 = arith.constant 1 : i32
      %add3A_209 = arith.addi %mul3A_207, %add3A_208 : i32
      %mul3A_210 = arith.constant 2 : i32
      %mul3A_211 = arith.muli %mul3A_210, %add3A_209 : i32
      %add3A_212 = arith.addi %mul3A_211, %select_n3A_30 : i32
      %mul3A_213 = arith.constant 16 : i32
      %mul3A_214 = arith.muli %add3A_212, %mul3A_213 : i32
      %mul3A_215 = arith.constant 2 : i32
      %mul3A_216 = arith.muli %mul3A_215, %add3A_209 : i32
      %add3A_217 = arith.addi %mul3A_216, %select_n3A_30 : i32
      %mul3A_218 = arith.constant 16 : i32
      %mul3A_219 = arith.muli %add3A_217, %mul3A_218 : i32
      %min3A_220 = arith.constant 2032 : i32
      %min3A_221 = arith.minsi %mul3A_219, %min3A_220 : i32
      %add3A_222 = arith.constant 16 : i32
      %add3A_223 = arith.addi %min3A_221, %add3A_222 : i32
      %sub3A_224 = arith.constant 1 : i32
      %sub3A_225 = arith.subi %sub3A_42, %sub3A_224 : i32
      %gt3A_226 = arith.cmpi sgt, %add3A_223, %sub3A_225 : i32
      %convert_element_type3A_227 = arith.extui %gt3A_226 : i1 to i32
      %cond3A_228 = arith.constant 0 : i32
      %cond3A_229 = arith.cmpi ne, %convert_element_type3A_227, %cond3A_228 : i32
      scf.if %cond3A_229 {
        %mul3A_267 = arith.constant 2 : i32
        %mul3A_268 = arith.muli %mul3A_267, %add3A_209 : i32
        %add3A_269 = arith.addi %mul3A_268, %select_n3A_30 : i32
        %mul3A_270 = arith.constant 16 : i32
        %mul3A_271 = arith.muli %add3A_269, %mul3A_270 : i32
        %min3A_272 = arith.constant 2032 : i32
        %min3A_273 = arith.minsi %mul3A_271, %min3A_272 : i32
        %dma_wait3A_274 = tpu.memref_slice %arg7[%min3A_273] : memref<2096xi32, #tpu.memory_space<vmem>> -> memref<24xi32, #tpu.memory_space<vmem>>
        %dma_wait3A_275 = arith.constant 0 : i32
        %dma_wait3A_276 = arith.constant 0 : i32
        %dma_wait3A_277 = tpu.memref_slice %arg2[%dma_wait3A_275, %dma_wait3A_276] : memref<32768x1024xf32, #tpu.memory_space<hbm>> -> memref<32768x1024xf32, #tpu.memory_space<hbm>>
        tpu.wait_indirect_dma semaphore(%arg14 : memref<!tpu.dma_semaphore, #tpu.memory_space<semaphore_mem>>) src(%dma_wait3A_277 : memref<32768x1024xf32, #tpu.memory_space<hbm>>) dst(%arg10 : memref<24x1024xf32, #tpu.memory_space<vmem>>)
      } else {
      }
      %ge3A_230 = arith.constant 1 : i32
      %ge3A_231 = arith.cmpi sge, %scan3A_146, %ge3A_230 : i32
      %convert_element_type3A_232 = arith.extui %ge3A_231 : i1 to i32
      %cond3A_233 = arith.constant 0 : i32
      %cond3A_234 = arith.cmpi ne, %convert_element_type3A_232, %cond3A_233 : i32
      scf.if %cond3A_234 {
        %dma_wait3A_267 = arith.constant 0 : i32
        %dma_wait3A_268 = arith.constant 0 : i32
        %dma_wait3A_269 = tpu.memref_slice %arg4[%dma_wait3A_267, %dma_wait3A_268] : memref<65536x1024xf32, #tpu.memory_space<hbm>> -> memref<32x1024xf32, #tpu.memory_space<hbm>>
        %dma_wait3A_270 = arith.constant 0 : i32
        %dma_wait3A_271 = arith.constant 0 : i32
        %dma_wait3A_272 = tpu.memref_slice %arg4[%dma_wait3A_270, %dma_wait3A_271] : memref<65536x1024xf32, #tpu.memory_space<hbm>> -> memref<32x1024xf32, #tpu.memory_space<hbm>>
        tpu.wait_dma2 semaphore(%arg16 : memref<!tpu.dma_semaphore, #tpu.memory_space<semaphore_mem>>) src(%arg12 : memref<32x1024xf32, #tpu.memory_space<vmem>>) dst(%dma_wait3A_272 : memref<32x1024xf32, #tpu.memory_space<hbm>>)
      } else {
      }
      %scan3A_235 = arith.constant 0 : i32
      %scan3A_236 = arith.constant 0 : i32
      %scan3A_237 = arith.constant 8 : i32
      %scan3A_238 = arith.addi %scan3A_236, %scan3A_237 : i32
      %scan3A_239 = arith.constant 1 : i32
      scf.for %scan3A_267 = %scan3A_236 to %scan3A_238 step %scan3A_239  : i32 {
        %mul3A_268 = arith.constant 2 : i32
        %mul3A_269 = arith.muli %mul3A_268, %scan3A_267 : i32
        %add3A_270 = arith.addi %mul3A_214, %mul3A_269 : i32
        %convert_element_type3A_271 = arith.sitofp %add3A_270 : i32 to f32
        %mul3A_272 = arith.constant 2.44200259E-4 : f32
        %mul3A_273 = arith.mulf %convert_element_type3A_271, %mul3A_272 : f32
        %add3A_274 = arith.constant 1 : i32
        %add3A_275 = arith.addi %sub3A_42, %add3A_274 : i32
        %ge3A_276 = arith.cmpi sge, %add3A_270, %add3A_275 : i32
        %jit3A_277 = arith.constant 0.000000e+00 : f32
        %select_n3A_278 = arith.select %ge3A_276, %mul3A_273, %jit3A_277 : f32
        %ge3A_279 = arith.cmpi sge, %add3A_270, %sub3A_42 : i32
        %sub3A_280 = arith.constant 1.000000e+00 : f32
        %sub3A_281 = arith.subf %sub3A_280, %mul3A_273 : f32
        %jit3A_282 = arith.constant 0.000000e+00 : f32
        %select_n3A_283 = arith.select %ge3A_279, %sub3A_281, %jit3A_282 : f32
        %ge3A_284 = arith.cmpi sge, %add3A_270, %sub3A_42 : i32
        %add3A_285 = arith.constant 2.048000e+03 : f32
        %add3A_286 = arith.addf %convert_element_type3A_271, %add3A_285 : f32
        %mul3A_287 = arith.constant 2.44200259E-4 : f32
        %mul3A_288 = arith.mulf %add3A_286, %mul3A_287 : f32
        %jit3A_289 = arith.constant 0.000000e+00 : f32
        %select_n3A_290 = arith.select %ge3A_284, %mul3A_288, %jit3A_289 : f32
        %sub3A_291 = arith.constant 1 : i32
        %sub3A_292 = arith.subi %sub3A_42, %sub3A_291 : i32
        %ge3A_293 = arith.cmpi sge, %add3A_270, %sub3A_292 : i32
        %sub3A_294 = arith.constant 2.047000e+03 : f32
        %sub3A_295 = arith.subf %sub3A_294, %convert_element_type3A_271 : f32
        %mul3A_296 = arith.constant 2.44200259E-4 : f32
        %mul3A_297 = arith.mulf %sub3A_295, %mul3A_296 : f32
        %jit3A_298 = arith.constant 0.000000e+00 : f32
        %select_n3A_299 = arith.select %ge3A_293, %mul3A_297, %jit3A_298 : f32
        %broadcast_in_dim3A_300 = vector.broadcast %select_n3A_278 : f32 to vector<16xf32>
        %broadcast_in_dim3A_301 = vector.broadcast %select_n3A_283 : f32 to vector<16xf32>
        %broadcast_in_dim3A_302 = vector.broadcast %select_n3A_290 : f32 to vector<16xf32>
        %broadcast_in_dim3A_303 = vector.broadcast %select_n3A_299 : f32 to vector<16xf32>
        %add3A_304 = arith.constant 1 : i32
        %add3A_305 = arith.addi %add3A_270, %add3A_304 : i32
        %convert_element_type3A_306 = arith.sitofp %add3A_305 : i32 to f32
        %mul3A_307 = arith.constant 2.44200259E-4 : f32
        %mul3A_308 = arith.mulf %convert_element_type3A_306, %mul3A_307 : f32
        %add3A_309 = arith.constant 1 : i32
        %add3A_310 = arith.addi %sub3A_42, %add3A_309 : i32
        %ge3A_311 = arith.cmpi sge, %add3A_305, %add3A_310 : i32
        %jit3A_312 = arith.constant 0.000000e+00 : f32
        %select_n3A_313 = arith.select %ge3A_311, %mul3A_308, %jit3A_312 : f32
        %ge3A_314 = arith.cmpi sge, %add3A_305, %sub3A_42 : i32
        %sub3A_315 = arith.constant 1.000000e+00 : f32
        %sub3A_316 = arith.subf %sub3A_315, %mul3A_308 : f32
        %jit3A_317 = arith.constant 0.000000e+00 : f32
        %select_n3A_318 = arith.select %ge3A_314, %sub3A_316, %jit3A_317 : f32
        %ge3A_319 = arith.cmpi sge, %add3A_305, %sub3A_42 : i32
        %add3A_320 = arith.constant 2.048000e+03 : f32
        %add3A_321 = arith.addf %convert_element_type3A_306, %add3A_320 : f32
        %mul3A_322 = arith.constant 2.44200259E-4 : f32
        %mul3A_323 = arith.mulf %add3A_321, %mul3A_322 : f32
        %jit3A_324 = arith.constant 0.000000e+00 : f32
        %select_n3A_325 = arith.select %ge3A_319, %mul3A_323, %jit3A_324 : f32
        %sub3A_326 = arith.constant 1 : i32
        %sub3A_327 = arith.subi %sub3A_42, %sub3A_326 : i32
        %ge3A_328 = arith.cmpi sge, %add3A_305, %sub3A_327 : i32
        %sub3A_329 = arith.constant 2.047000e+03 : f32
        %sub3A_330 = arith.subf %sub3A_329, %convert_element_type3A_306 : f32
        %mul3A_331 = arith.constant 2.44200259E-4 : f32
        %mul3A_332 = arith.mulf %sub3A_330, %mul3A_331 : f32
        %jit3A_333 = arith.constant 0.000000e+00 : f32
        %select_n3A_334 = arith.select %ge3A_328, %mul3A_332, %jit3A_333 : f32
        %broadcast_in_dim3A_335 = vector.broadcast %select_n3A_313 : f32 to vector<16xf32>
        %broadcast_in_dim3A_336 = vector.broadcast %select_n3A_318 : f32 to vector<16xf32>
        %broadcast_in_dim3A_337 = vector.broadcast %select_n3A_325 : f32 to vector<16xf32>
        %broadcast_in_dim3A_338 = vector.broadcast %select_n3A_334 : f32 to vector<16xf32>
        %parallel_loop3A_339 = arith.constant 0 : i32
        %parallel_loop3A_340 = arith.constant 64 : i32
        %parallel_loop3A_341 = arith.constant 1 : i32
        scf.for %parallel_loop3A_342 = %parallel_loop3A_339 to %parallel_loop3A_340 step %parallel_loop3A_341  : i32 {
          %parallel_loop3A_343 = arith.constant 16 : i32
          %parallel_loop3A_344 = arith.muli %parallel_loop3A_342, %parallel_loop3A_343 : i32
          %parallel_loop3A_345 = arith.index_cast %mul3A_269 : i32 to index
          %parallel_loop3A_346 = arith.index_cast %parallel_loop3A_344 : i32 to index
          %parallel_loop3A_347 = tpu.vector_load %arg10[%parallel_loop3A_345, %parallel_loop3A_346] {strides = array<i32>} : memref<24x1024xf32, #tpu.memory_space<vmem>>, vector<16xf32>,
          %parallel_loop3A_348 = arith.constant 1 : i32
          %parallel_loop3A_349 = arith.addi %mul3A_269, %parallel_loop3A_348 : i32
          %parallel_loop3A_350 = arith.index_cast %parallel_loop3A_349 : i32 to index
          %parallel_loop3A_351 = arith.index_cast %parallel_loop3A_344 : i32 to index
          %parallel_loop3A_352 = tpu.vector_load %arg10[%parallel_loop3A_350, %parallel_loop3A_351] {strides = array<i32>} : memref<24x1024xf32, #tpu.memory_space<vmem>>, vector<16xf32>,
          %parallel_loop3A_353 = arith.constant 2 : i32
          %parallel_loop3A_354 = arith.addi %mul3A_269, %parallel_loop3A_353 : i32
          %parallel_loop3A_355 = arith.index_cast %parallel_loop3A_354 : i32 to index
          %parallel_loop3A_356 = arith.index_cast %parallel_loop3A_344 : i32 to index
          %parallel_loop3A_357 = tpu.vector_load %arg10[%parallel_loop3A_355, %parallel_loop3A_356] {strides = array<i32>} : memref<24x1024xf32, #tpu.memory_space<vmem>>, vector<16xf32>,
          %parallel_loop3A_358 = arith.constant 3 : i32
          %parallel_loop3A_359 = arith.addi %mul3A_269, %parallel_loop3A_358 : i32
          %parallel_loop3A_360 = arith.index_cast %parallel_loop3A_359 : i32 to index
          %parallel_loop3A_361 = arith.index_cast %parallel_loop3A_344 : i32 to index
          %parallel_loop3A_362 = tpu.vector_load %arg10[%parallel_loop3A_360, %parallel_loop3A_361] {strides = array<i32>} : memref<24x1024xf32, #tpu.memory_space<vmem>>, vector<16xf32>,
          %parallel_loop3A_363 = arith.mulf %broadcast_in_dim3A_300, %parallel_loop3A_347 : vector<16xf32>
          %parallel_loop3A_364 = arith.mulf %broadcast_in_dim3A_301, %parallel_loop3A_352 : vector<16xf32>
          %parallel_loop3A_365 = arith.addf %parallel_loop3A_363, %parallel_loop3A_364 : vector<16xf32>
          %parallel_loop3A_366 = arith.constant 2 : i32
          %parallel_loop3A_367 = arith.muli %parallel_loop3A_366, %mul3A_269 : i32
          %parallel_loop3A_368 = arith.index_cast %parallel_loop3A_367 : i32 to index
          %parallel_loop3A_369 = arith.index_cast %parallel_loop3A_344 : i32 to index
          %parallel_loop3A_370 = tpu.vector_load %arg12[%parallel_loop3A_368, %parallel_loop3A_369] {strides = array<i32>} : memref<32x1024xf32, #tpu.memory_space<vmem>>, vector<16xf32>,
          tpu.vector_store %arg12[%parallel_loop3A_368, %parallel_loop3A_369], %parallel_loop3A_365 {strides = array<i32>} : memref<32x1024xf32, #tpu.memory_space<vmem>>, vector<16xf32>,
          %parallel_loop3A_371 = arith.mulf %broadcast_in_dim3A_302, %parallel_loop3A_352 : vector<16xf32>
          %parallel_loop3A_372 = arith.mulf %broadcast_in_dim3A_303, %parallel_loop3A_357 : vector<16xf32>
          %parallel_loop3A_373 = arith.addf %parallel_loop3A_371, %parallel_loop3A_372 : vector<16xf32>
          %parallel_loop3A_374 = arith.constant 2 : i32
          %parallel_loop3A_375 = arith.muli %parallel_loop3A_374, %mul3A_269 : i32
          %parallel_loop3A_376 = arith.constant 1 : i32
          %parallel_loop3A_377 = arith.addi %parallel_loop3A_375, %parallel_loop3A_376 : i32
          %parallel_loop3A_378 = arith.index_cast %parallel_loop3A_377 : i32 to index
          %parallel_loop3A_379 = arith.index_cast %parallel_loop3A_344 : i32 to index
          %parallel_loop3A_380 = tpu.vector_load %arg12[%parallel_loop3A_378, %parallel_loop3A_379] {strides = array<i32>} : memref<32x1024xf32, #tpu.memory_space<vmem>>, vector<16xf32>,
          tpu.vector_store %arg12[%parallel_loop3A_378, %parallel_loop3A_379], %parallel_loop3A_373 {strides = array<i32>} : memref<32x1024xf32, #tpu.memory_space<vmem>>, vector<16xf32>,
          %parallel_loop3A_381 = arith.mulf %broadcast_in_dim3A_335, %parallel_loop3A_352 : vector<16xf32>
          %parallel_loop3A_382 = arith.mulf %broadcast_in_dim3A_336, %parallel_loop3A_357 : vector<16xf32>
          %parallel_loop3A_383 = arith.addf %parallel_loop3A_381, %parallel_loop3A_382 : vector<16xf32>
          %parallel_loop3A_384 = arith.constant 2 : i32
          %parallel_loop3A_385 = arith.muli %parallel_loop3A_384, %mul3A_269 : i32
          %parallel_loop3A_386 = arith.constant 2 : i32
          %parallel_loop3A_387 = arith.addi %parallel_loop3A_385, %parallel_loop3A_386 : i32
          %parallel_loop3A_388 = arith.index_cast %parallel_loop3A_387 : i32 to index
          %parallel_loop3A_389 = arith.index_cast %parallel_loop3A_344 : i32 to index
          %parallel_loop3A_390 = tpu.vector_load %arg12[%parallel_loop3A_388, %parallel_loop3A_389] {strides = array<i32>} : memref<32x1024xf32, #tpu.memory_space<vmem>>, vector<16xf32>,
          tpu.vector_store %arg12[%parallel_loop3A_388, %parallel_loop3A_389], %parallel_loop3A_383 {strides = array<i32>} : memref<32x1024xf32, #tpu.memory_space<vmem>>, vector<16xf32>,
          %parallel_loop3A_391 = arith.mulf %broadcast_in_dim3A_337, %parallel_loop3A_357 : vector<16xf32>
          %parallel_loop3A_392 = arith.mulf %broadcast_in_dim3A_338, %parallel_loop3A_362 : vector<16xf32>
          %parallel_loop3A_393 = arith.addf %parallel_loop3A_391, %parallel_loop3A_392 : vector<16xf32>
          %parallel_loop3A_394 = arith.constant 2 : i32
          %parallel_loop3A_395 = arith.muli %parallel_loop3A_394, %mul3A_269 : i32
          %parallel_loop3A_396 = arith.constant 3 : i32
          %parallel_loop3A_397 = arith.addi %parallel_loop3A_395, %parallel_loop3A_396 : i32
          %parallel_loop3A_398 = arith.index_cast %parallel_loop3A_397 : i32 to index
          %parallel_loop3A_399 = arith.index_cast %parallel_loop3A_344 : i32 to index
          %parallel_loop3A_400 = tpu.vector_load %arg12[%parallel_loop3A_398, %parallel_loop3A_399] {strides = array<i32>} : memref<32x1024xf32, #tpu.memory_space<vmem>>, vector<16xf32>,
          tpu.vector_store %arg12[%parallel_loop3A_398, %parallel_loop3A_399], %parallel_loop3A_393 {strides = array<i32>} : memref<32x1024xf32, #tpu.memory_space<vmem>>, vector<16xf32>,
        } {sc.loop_unroll_factor = 8 : i64, sc.parallel_access}
      }
      %scan3A_240 = arith.constant 8 : i32
      %mul3A_241 = arith.constant 4096 : i32
      %mul3A_242 = arith.muli %select_n3A, %mul3A_241 : i32
      %mul3A_243 = arith.constant 2 : i32
      %mul3A_244 = arith.muli %mul3A_243, %mul3A_214 : i32
      %add3A_245 = arith.addi %mul3A_242, %mul3A_244 : i32
      %dma_start3A_246 = arith.constant 0 : i32
      %dma_start3A_247 = tpu.memref_slice %arg4[%add3A_245, %dma_start3A_246] : memref<65536x1024xf32, #tpu.memory_space<hbm>> -> memref<32x1024xf32, #tpu.memory_space<hbm>>
      %dma_start3A_248 = arith.constant 0 : i32
      %dma_start3A_249 = tpu.memref_slice %arg4[%add3A_245, %dma_start3A_248] : memref<65536x1024xf32, #tpu.memory_space<hbm>> -> memref<32x1024xf32, #tpu.memory_space<hbm>>
      tpu.enqueue_dma source(%arg12 : memref<32x1024xf32, #tpu.memory_space<vmem>>) target(%dma_start3A_249 : memref<32x1024xf32, #tpu.memory_space<hbm>>) target_semaphore(%arg16 : memref<!tpu.dma_semaphore, #tpu.memory_space<semaphore_mem>>)
      %add3A_250 = arith.constant 2 : i32
      %add3A_251 = arith.addi %add3A_209, %add3A_250 : i32
      %mul3A_252 = arith.constant 2 : i32
      %mul3A_253 = arith.muli %mul3A_252, %add3A_251 : i32
      %add3A_254 = arith.addi %mul3A_253, %select_n3A_30 : i32
      %mul3A_255 = arith.constant 16 : i32
      %mul3A_256 = arith.muli %add3A_254, %mul3A_255 : i32
      %min3A_257 = arith.constant 2032 : i32
      %min3A_258 = arith.minsi %mul3A_256, %min3A_257 : i32
      %add3A_259 = arith.constant 16 : i32
      %add3A_260 = arith.addi %min3A_258, %add3A_259 : i32
      %sub3A_261 = arith.constant 1 : i32
      %sub3A_262 = arith.subi %sub3A_42, %sub3A_261 : i32
      %gt3A_263 = arith.cmpi sgt, %add3A_260, %sub3A_262 : i32
      %convert_element_type3A_264 = arith.extui %gt3A_263 : i1 to i32
      %cond3A_265 = arith.constant 0 : i32
      %cond3A_266 = arith.cmpi ne, %convert_element_type3A_264, %cond3A_265 : i32
      scf.if %cond3A_266 {
        %mul3A_267 = arith.constant 2 : i32
        %mul3A_268 = arith.muli %mul3A_267, %add3A_251 : i32
        %add3A_269 = arith.addi %mul3A_268, %select_n3A_30 : i32
        %mul3A_270 = arith.constant 16 : i32
        %mul3A_271 = arith.muli %add3A_269, %mul3A_270 : i32
        %min3A_272 = arith.constant 2032 : i32
        %min3A_273 = arith.minsi %mul3A_271, %min3A_272 : i32
        %dma_start3A_274 = tpu.memref_slice %arg7[%min3A_273] : memref<2096xi32, #tpu.memory_space<vmem>> -> memref<24xi32, #tpu.memory_space<vmem>>
        %dma_start3A_275 = arith.constant 0 : i32
        %dma_start3A_276 = arith.constant 0 : i32
        %dma_start3A_277 = tpu.memref_slice %arg2[%dma_start3A_275, %dma_start3A_276] : memref<32768x1024xf32, #tpu.memory_space<hbm>> -> memref<32768x1024xf32, #tpu.memory_space<hbm>>
        tpu.enqueue_indirect_dma source(%dma_start3A_277 : memref<32768x1024xf32, #tpu.memory_space<hbm>>) target(%arg10 : memref<24x1024xf32, #tpu.memory_space<vmem>>) offsets(%dma_start3A_274 : memref<24xi32, #tpu.memory_space<vmem>>) semaphore(%arg14 : memref<!tpu.dma_semaphore, #tpu.memory_space<semaphore_mem>>)
      } else {
      }
    }
    %scan3A_100 = arith.constant 32 : i32
    %mul3A_101 = arith.constant 2 : i32
    %mul3A_102 = arith.constant 64 : i32
    %mul3A_103 = arith.muli %mul3A_101, %mul3A_102 : i32
    %add3A_104 = arith.addi %mul3A_103, %select_n3A_30 : i32
    %mul3A_105 = arith.constant 16 : i32
    %mul3A_106 = arith.muli %add3A_104, %mul3A_105 : i32
    %min3A_107 = arith.constant 2032 : i32
    %min3A_108 = arith.minsi %mul3A_106, %min3A_107 : i32
    %add3A_109 = arith.constant 16 : i32
    %add3A_110 = arith.addi %min3A_108, %add3A_109 : i32
    %sub3A_111 = arith.constant 1 : i32
    %sub3A_112 = arith.subi %sub3A_42, %sub3A_111 : i32
    %gt3A_113 = arith.cmpi sgt, %add3A_110, %sub3A_112 : i32
    %convert_element_type3A_114 = arith.extui %gt3A_113 : i1 to i32
    %cond3A_115 = arith.constant 64 : i32
    %cond3A_116 = arith.constant 0 : i32
    %cond3A_117 = arith.cmpi ne, %convert_element_type3A_114, %cond3A_116 : i32
    scf.if %cond3A_117 {
      %mul3A_146 = arith.constant 2 : i32
      %mul3A_147 = arith.muli %mul3A_146, %cond3A_115 : i32
      %add3A_148 = arith.addi %mul3A_147, %select_n3A_30 : i32
      %mul3A_149 = arith.constant 16 : i32
      %mul3A_150 = arith.muli %add3A_148, %mul3A_149 : i32
      %min3A_151 = arith.constant 2032 : i32
      %min3A_152 = arith.minsi %mul3A_150, %min3A_151 : i32
      %dma_wait3A_153 = tpu.memref_slice %arg7[%min3A_152] : memref<2096xi32, #tpu.memory_space<vmem>> -> memref<24xi32, #tpu.memory_space<vmem>>
      %dma_wait3A_154 = arith.constant 0 : i32
      %dma_wait3A_155 = arith.constant 0 : i32
      %dma_wait3A_156 = tpu.memref_slice %arg2[%dma_wait3A_154, %dma_wait3A_155] : memref<32768x1024xf32, #tpu.memory_space<hbm>> -> memref<32768x1024xf32, #tpu.memory_space<hbm>>
      tpu.wait_indirect_dma semaphore(%arg13 : memref<!tpu.dma_semaphore, #tpu.memory_space<semaphore_mem>>) src(%dma_wait3A_156 : memref<32768x1024xf32, #tpu.memory_space<hbm>>) dst(%arg9 : memref<24x1024xf32, #tpu.memory_space<vmem>>)
    } else {
    }
    %dma_wait3A = arith.constant 0 : i32
    %dma_wait3A_118 = arith.constant 0 : i32
    %dma_wait3A_119 = tpu.memref_slice %arg4[%dma_wait3A, %dma_wait3A_118] : memref<65536x1024xf32, #tpu.memory_space<hbm>> -> memref<32x1024xf32, #tpu.memory_space<hbm>>
    %dma_wait3A_120 = arith.constant 0 : i32
    %dma_wait3A_121 = arith.constant 0 : i32
    %dma_wait3A_122 = tpu.memref_slice %arg4[%dma_wait3A_120, %dma_wait3A_121] : memref<65536x1024xf32, #tpu.memory_space<hbm>> -> memref<32x1024xf32, #tpu.memory_space<hbm>>
    tpu.wait_dma2 semaphore(%arg15 : memref<!tpu.dma_semaphore, #tpu.memory_space<semaphore_mem>>) src(%arg11 : memref<32x1024xf32, #tpu.memory_space<vmem>>) dst(%dma_wait3A_122 : memref<32x1024xf32, #tpu.memory_space<hbm>>)
    %mul3A_123 = arith.constant 2 : i32
    %mul3A_124 = arith.constant 65 : i32
    %mul3A_125 = arith.muli %mul3A_123, %mul3A_124 : i32
    %add3A_126 = arith.addi %mul3A_125, %select_n3A_30 : i32
    %mul3A_127 = arith.constant 16 : i32
    %mul3A_128 = arith.muli %add3A_126, %mul3A_127 : i32
    %min3A_129 = arith.constant 2032 : i32
    %min3A_130 = arith.minsi %mul3A_128, %min3A_129 : i32
    %add3A_131 = arith.constant 16 : i32
    %add3A_132 = arith.addi %min3A_130, %add3A_131 : i32
    %sub3A_133 = arith.constant 1 : i32
    %sub3A_134 = arith.subi %sub3A_42, %sub3A_133 : i32
    %gt3A_135 = arith.cmpi sgt, %add3A_132, %sub3A_134 : i32
    %convert_element_type3A_136 = arith.extui %gt3A_135 : i1 to i32
    %cond3A_137 = arith.constant 65 : i32
    %cond3A_138 = arith.constant 0 : i32
    %cond3A_139 = arith.cmpi ne, %convert_element_type3A_136, %cond3A_138 : i32
    scf.if %cond3A_139 {
      %mul3A_146 = arith.constant 2 : i32
      %mul3A_147 = arith.muli %mul3A_146, %cond3A_137 : i32
      %add3A_148 = arith.addi %mul3A_147, %select_n3A_30 : i32
      %mul3A_149 = arith.constant 16 : i32
      %mul3A_150 = arith.muli %add3A_148, %mul3A_149 : i32
      %min3A_151 = arith.constant 2032 : i32
      %min3A_152 = arith.minsi %mul3A_150, %min3A_151 : i32
      %dma_wait3A_153 = tpu.memref_slice %arg7[%min3A_152] : memref<2096xi32, #tpu.memory_space<vmem>> -> memref<24xi32, #tpu.memory_space<vmem>>
      %dma_wait3A_154 = arith.constant 0 : i32
      %dma_wait3A_155 = arith.constant 0 : i32
      %dma_wait3A_156 = tpu.memref_slice %arg2[%dma_wait3A_154, %dma_wait3A_155] : memref<32768x1024xf32, #tpu.memory_space<hbm>> -> memref<32768x1024xf32, #tpu.memory_space<hbm>>
      tpu.wait_indirect_dma semaphore(%arg14 : memref<!tpu.dma_semaphore, #tpu.memory_space<semaphore_mem>>) src(%dma_wait3A_156 : memref<32768x1024xf32, #tpu.memory_space<hbm>>) dst(%arg10 : memref<24x1024xf32, #tpu.memory_space<vmem>>)
    } else {
    }
    %dma_wait3A_140 = arith.constant 0 : i32
    %dma_wait3A_141 = arith.constant 0 : i32
    %dma_wait3A_142 = tpu.memref_slice %arg4[%dma_wait3A_140, %dma_wait3A_141] : memref<65536x1024xf32, #tpu.memory_space<hbm>> -> memref<32x1024xf32, #tpu.memory_space<hbm>>
    %dma_wait3A_143 = arith.constant 0 : i32
    %dma_wait3A_144 = arith.constant 0 : i32
    %dma_wait3A_145 = tpu.memref_slice %arg4[%dma_wait3A_143, %dma_wait3A_144] : memref<65536x1024xf32, #tpu.memory_space<hbm>> -> memref<32x1024xf32, #tpu.memory_space<hbm>>
    tpu.wait_dma2 semaphore(%arg16 : memref<!tpu.dma_semaphore, #tpu.memory_space<semaphore_mem>>) src(%arg12 : memref<32x1024xf32, #tpu.memory_space<vmem>>) dst(%dma_wait3A_145 : memref<32x1024xf32, #tpu.memory_space<hbm>>)
    return
  }
}

</mosaic_0001>

<sc_bundles>
// kernel: kernel.3.cloned.1.call-start
scs
__scs_entry_jumppad:
0x0: {  	(pc) =	sbr.rel $0x88, $3  }
0x1: {  	(tag) =	ssettag $0x0;
	lr =	simm.s32 $0x1  }
0x2: {  	[smem:$0x3F9F] =	sst lr;
	_ =	strace $0xD0000000  }
0x3: {  	_ = 	snop  }
0x4: {  	_ = 	snop  }
0x5: {  	_ = 	snop  }
0x6: {  	_ = 	snop  }
0x7: {  	_ = 	snop  }
__scs_overlays_trampoline_lowered:
0x8: {  	[smem:$0x3FAE] =	sst s0  }
0x9: {  	[smem:$0x3FAF] =	sst s1  }
0xa: {  	[smem:$0x3FB0] =	sst s2  }
0xb: {  	[smem:$0x3FB1] =	sst s3  }
0xc: {  	[smem:$0x3FB2] =	sst s4  }
0xd: {  	[smem:$0x3FB3] =	sst s5  }
0xe: {  	[smem:$0x3FB4] =	sst s6  }
0xf: {  	[smem:$0x3FB5] =	sst s7  }
0x10: {  	[smem:$0x3FB6] =	sst s8  }
0x11: {  	[smem:$0x3FB7] =	sst s9;
	s0 =	simm.s32 @!p0 $0x0  }
0x12: {  	s1 =	sld [smem:$0x3F9D];
	s0 =	simm.s32 @p0 $0x1  }
0x13: {  	[smem:$0x3FB8] =	sst s0;
	s0 =	simm.s32 @!p1 $0x0  }
0x14: {  	s2 =	sld [smem:$0x3F9C];
	s0 =	simm.s32 @p1 $0x1  }
0x15: {  	[smem:$0x3FB9] =	sst s0;
	s0 =	simm.s32 @!p2 $0x0  }
0x16: {  	s3 =	sld [smem:$0x3FDB];
	s0 =	simm.s32 @p2 $0x1  }
0x17: {  	s4 =	simm.s32 $0x1BF5;
	[smem:$0x3FBB] =	sst s0  }
0x18: {  	s0 =	sld [smem:$0x3F9E];
	_ =	swait.ge [sflag:s4], $0x0  }
0x19: {  	s7 =	sld [smem:$0x3F9F]  }
0x1a: {  	s8 =	sadd.s32 $0xFFFFE003, lr  }
0x1b: {  	s9 =	sadd.s32 $0xFFFFFEF7, lr;
	s5 =	simm.s32 $0xFFFFFFFF;
	p2 =	slt.u32 s8, $0xFFFFF086  }
0x1c: {  	p1 =	slt.u32 s9, $0xF7A;
	s5 =	simm.s32 @!p2 $0x0  }
0x1d: {  	s5 =	simm.s32 @p1 $0x1;
	p0 =	seq.s32 s7, s2  }
0x1e: {  	s7 =	smul.u32 @!p0 $0xF7A, s2;
	p2 =	seq.s32 @!p0 s5, $0x0  }
0x1f: {  	s9 =	smul.u32 $0xF7A, s1;
	s8 =	simm.s32 @!p0 $0x1BF5;
	p2 =	por !p2, p0  }
0x20: {  	[sflag:s8] =	ssyncset.s32 @!p0 $0xFFFFF086;
	s6 =	sadd.s32 @!p0 s3, s7;
	s7 =	simm.s32 @!p0 $0x108  }
0x21: {  	s3 =	sadd.s32 s3, s9;
	s6 =	sadd.s32 @!p0 $0x88, s6;
	s7 =	simm.s32 @p2 $0x1082  }
0x22: {  	[simem:s7], [sflag:s8] =	dma.local @!p0 [hbm:s6], $0xF7A  }
0x23: {  	s9 =	sor.u32 $0xD0000000, s2;
	s6 =	simm.s32 $0x108;
	_ =	swait.ge @!p0 [sflag:s8], $0x0  }
0x24: {  	s3 =	sadd.s32 $0x88, s3;
	s6 =	simm.s32 @!p1 $0x1082;
	[sflag:s4] =	ssyncset.s32 $0xFFFFF086  }
0x25: {  	[simem:s6], [sflag:s4] =	dma.local [hbm:s3], $0xF7A  }
0x26: {  	[smem:$0x3F9F] =	sst s1;
	(tag) =	ssettag s2;
	_ =	strace s9  }
0x27: {  	s1 =	sld [smem:$0x3FAF]  }
0x28: {  	s2 =	sld [smem:$0x3FB0]  }
0x29: {  	s4 =	sld [smem:$0x3FB2]  }
0x2a: {  	p0 =	seq.s32 s5, $0x0;
	s5 =	sld [smem:$0x3FB3]  }
0x2b: {  	s6 =	sld [smem:$0x3FB4]  }
0x2c: {  	s7 =	sld [smem:$0x3FB5]  }
0x2d: {  	s3 =	simm.s32 $0x108;
	s8 =	sld [smem:$0x3FB6]  }
0x2e: {  	s3 =	simm.s32 @!p0 $0x1082;
	s9 =	sld [smem:$0x3FB7]  }
0x2f: {  	lr =	sadd.s32 s0, s3;
	s0 =	sld [smem:$0x3FAE]  }
0x30: {  	s3 =	sld [smem:$0x3FB1]  }
0x31: {  	[smem:$0x3FBA] =	sst s10  }
0x32: {  	s10 =	sld [smem:$0x3FB8];
	_ =	sdelay $0x3  }
0x33: {  	p0 =	seq.s32 s10, $0x1;
	s10 =	sld [smem:$0x3FBA];
	_ =	sdelay $0x3  }
0x34: {  	[smem:$0x3FBA] =	sst s10  }
0x35: {  	s10 =	sld [smem:$0x3FB9];
	_ =	sdelay $0x3  }
0x36: {  	p1 =	seq.s32 s10, $0x1;
	s10 =	sld [smem:$0x3FBA];
	_ =	sdelay $0x3  }
0x37: {  	[smem:$0x3FBA] =	sst s10  }
0x38: {  	s10 =	sld [smem:$0x3FBB]  }
0x39: {  	_ = 	snop;
	(pc) =	sbr.ind lr, $3  }
0x3a: {  	_ = 	snop  }
0x3b: {  	_ = 	snop  }
0x3c: {  	p2 =	seq.s32 s10, $0x1;
	s10 =	sld [smem:$0x3FBA]  }
0x3d: {  	_ =	shalt  }
0x3e: {  	_ =	shalt  }
0x3f: {  	_ =	shalt  }
0x40: {  	_ =	shalt  }
0x41: {  	_ =	shalt  }
0x42: {  	_ =	shalt  }
0x43: {  	_ =	shalt  }
0x44: {  	_ =	shalt  }
0x45: {  	_ =	shalt  }
0x46: {  	_ =	shalt  }
0x47: {  	_ =	shalt  }
0x48: {  	_ =	shalt  }
0x49: {  	_ =	shalt  }
0x4a: {  	_ =	shalt  }
0x4b: {  	_ =	shalt  }
0x4c: {  	_ =	shalt  }
0x4d: {  	_ =	shalt  }
0x4e: {  	_ =	shalt  }
0x4f: {  	_ =	shalt  }
0x50: {  	_ =	shalt  }
0x51: {  	_ =	shalt  }
0x52: {  	_ =	shalt  }
0x53: {  	_ =	shalt  }
0x54: {  	_ =	shalt  }
0x55: {  	_ =	shalt  }
0x56: {  	_ =	shalt  }
0x57: {  	_ =	shalt  }
0x58: {  	_ =	shalt  }
0x59: {  	_ =	shalt  }
0x5a: {  	_ =	shalt  }
0x5b: {  	_ =	shalt  }
0x5c: {  	_ =	shalt  }
0x5d: {  	_ =	shalt  }
0x5e: {  	_ =	shalt  }
0x5f: {  	_ =	shalt  }
0x60: {  	_ =	shalt  }
0x61: {  	_ =	shalt  }
0x62: {  	_ =	shalt  }
0x63: {  	_ =	shalt  }
0x64: {  	_ =	shalt  }
0x65: {  	_ =	shalt  }
0x66: {  	_ =	shalt  }
0x67: {  	_ =	shalt  }
0x68: {  	_ =	shalt  }
0x69: {  	_ =	shalt  }
0x6a: {  	_ =	shalt  }
0x6b: {  	_ =	shalt  }
0x6c: {  	_ =	shalt  }
0x6d: {  	_ =	shalt  }
0x6e: {  	_ =	shalt  }
0x6f: {  	_ =	shalt  }
0x70: {  	_ =	shalt  }
0x71: {  	_ =	shalt  }
0x72: {  	_ =	shalt  }
0x73: {  	_ =	shalt  }
0x74: {  	_ =	shalt  }
0x75: {  	_ =	shalt  }
0x76: {  	_ =	shalt  }
0x77: {  	_ =	shalt  }
0x78: {  	_ =	shalt  }
0x79: {  	_ =	shalt  }
0x7a: {  	_ =	shalt  }
0x7b: {  	_ =	shalt  }
0x7c: {  	_ =	shalt  }
0x7d: {  	_ =	shalt  }
0x7e: {  	_ =	shalt  }
0x7f: {  	_ =	shalt  }
0x80: {  	_ =	shalt  }
0x81: {  	_ =	shalt  }
0x82: {  	_ =	shalt  }
0x83: {  	_ =	shalt  }
0x84: {  	_ =	shalt  }
0x85: {  	_ =	shalt  }
0x86: {  	_ =	shalt  }
0x87: {  	_ =	shalt  }
.Lfunc_end0:
.L_simem_size_0:
called_computation_lowered:
.L_overlay_start_0:
0x88: {  	s2 =	sld [smem:$0x3FD9]  }
0x89: {  	s3 =	sld [smem:$0x3FFE];
	_ =	sdelay $0x1  }
0x8a: {  	s1 =	srdreg.scid  }
0x8b: {  	s0 =	sand.u32 $0x1, s1  }
0x8c: {  	s14 =	sshll.u32 s0, $0xA;
	s2 =	sadd.s32 s3, s2  }
0x8d: {  	s2 =	sadd.s32 s2, s14  }
0x8e: {  	[smem:$0x3FC6] =	sst s2  }
0x8f: {  	_ = 	snop  }
0x90: {  	s2 =	sld [smem:$0x3FD0];
	_ =	sdelay $0x1  }
0x91: {  	s15 =	sld [smem:$0x3FC9]  }
0x92: {  	s5 =	simm.s32 $0xA;
	s6 =	simm.s32 $0x10;
	s4 =	sld [smem:$0x3FC8]  }
0x93: {  	[smem:s6], [sflag:s5] =	dma.local [hbm:s2], $0x1  }
0x94: {  	_ =	swait.eq [sflag:s5], $0x1  }
0x95: {  	[sflag:s5] =	ssyncset.done $0x0  }
0x96: {  	[sflag:s5] =	ssyncadd.s32 $0xFFFFFFFF  }
0x97: {  	s16 =	sld [smem:$0x10];
	(tm) =	ssettm $0x1  }
0x98: {  	s17 =	sld [smem:$0x3FFB];
	_ =	sdelay $0x3  }
0x99: {  	_ =	strace s17  }
0x9a: {  	s5 =	sld [smem:$0x3FFC];
	_ =	sdelay $0x3  }
0x9b: {  	_ =	strace s5  }
0x9c: {  	s5 =	sld [smem:$0x3FFD];
	_ =	sdelay $0x3  }
0x9d: {  	_ =	strace s5  }
0x9e: {  	_ =	strace $0x8FFFFFFF  }
0x9f: {  	s18 =	sld [smem:$0x3FDB];
	_ =	sdelay $0x1  }
0xa0: {  	s19 =	simm.s32 $_scs_section_size  }
0xa1: {  	s7 =	simm.s32 $_size__tile_overlayer_lowered;
	s8 =	simm.s32 $_tile_overlayer_lowered  }
0xa2: {  	s22 =	simm.s32 $0x1BFF;
	s21 =	sshll.u32 s8, $0x1;
	s5 =	sadd.s32 s19, s18  }
0xa3: {  	s9 =	simm.s32 $0x0;
	s20 =	sshll.u32 s7, $0x1;
	s7 =	sadd.s32 s21, s5  }
0xa4: {  	[timem:s9], [sflag:s22] =	dma.local [hbm:s7], s20  }
0xa5: {  	_ =	swait.ge [sflag:s22], s20  }
0xa6: {  	s6 =	ssub.s32 $0x0, s20;
	[sflag:s22] =	ssyncset.done $0x0  }
0xa7: {  	[sflag:s22] =	ssyncadd.s32 s6;
	_ =	sdelay $0x1  }
0xa8: {  	s23 =	simm.s32 $0x1B8B  }
0xa9: {  	_ =	swait.ge [sflag:s23], $0x1  }
0xaa: {  	[sflag:s23] =	ssyncset.done $0x0  }
0xab: {  	s25 =	simm.s32 $0x1B8E;
	s24 =	sld [smem:$0x3FFE];
	[sflag:s23] =	ssyncadd.s32 $0xFFFFFFFF  }
0xac: {  	s26 =	simm.s32 $execute0_lowered;
	[smem:$0x3FD2] =	sst s25  }
0xad: {  	s7 =	sshll.u32 s26, $0x1;
	_ =	strace $0x80000046;
	[dreg:$0x1] =	wrdreg $0xFFFFFFFF  }
0xae: {  	s28 =	simm.s32 $_size_execute0_lowered;
	s5 =	sadd.s32 s5, s7;
	[dreg:$0x0] =	wrdreg $0x0  }
0xaf: {  	s7 =	sshll.u32 s28, $0x1;
	[dreg:$0x2] =	wrdreg s5  }
0xb0: {  	[dreg:$0x3] =	wrdreg s7  }
0xb1: {  	[dreg:$0x4] =	wrdreg $0xC0  }
0xb2: {  	_ =	task [dreg:s9], $0x5FFFF  }
0xb3: {  	[dreg:$0x1] =	wrdreg $0xFFFFFFFF  }
0xb4: {  	[dreg:$0x0] =	wrdreg $0x60  }
0xb5: {  	[dreg:$0x2] =	wrdreg s15  }
0xb6: {  	[dreg:$0x3] =	wrdreg s4  }
0xb7: {  	[dreg:$0x4] =	wrdreg s16  }
0xb8: {  	[dreg:$0x5] =	wrdreg s24  }
0xb9: {  	[dreg:$0x6] =	wrdreg $0x9  }
0xba: {  	_ =	task.clear_ibuf [dreg:s9], $0x7FFFF;
	_ =	strace $0x90000046  }
0xbb: {  	s29 =	simm.s32 $0x9;
	_ =	strace $0x80000048  }
0xbc: {  	_ =	swait.ge [sflag:s29], $0x1  }
0xbd: {  	[sflag:s29] =	ssyncadd.s32 $0xFFFFFFFF  }
0xbe: {  	_ =	strace $0x90000048  }
0xbf: {  	_ =	sfence  }
0xc0: {  	s30 =	sld [smem:$0x0];
	_ =	sdelay $0x2  }
0xc1: {  	s31 =	sshll.u32 s1, $0xD;
	s1 =	sshrl.u32 s1, $0x2  }
0xc2: {  	s3 =	sand.u32 $0x4000, s31;
	s1 =	sadd.s32 s1, s30  }
0xc3: {  	s0 =	sor.u32 s3, s0;
	s1 =	sshll.u32 s1, $0x11  }
0xc4: {  	s0 =	sor.u32 s1, s0  }
0xc5: {  	s0 =	sadd.s32 $0x8F2B, s0  }
0xc6: {  	[sflag:s0] =	ssyncadd.remote.s32 $0x1  }
0xc7: {  	_ =	sfence.sel $0xFFFF  }
0xc8: {  	[dreg:$0x0] =	wrdreg $0xFFFFFFFF;
	(pc) =	sbr.abs _section_cstart, $3  }
0xc9: {  	[dreg:$0x1] =	wrdreg $0xFFFFFFFF  }
0xca: {  	_ =	task.clear_ibuf [dreg:s9], $0x2FFFF;
	_ =	strace $0x9FFFFFFF  }
0xcb: {  	(tm) =	ssettm $0x7FFFFFFF  }
tec
execute0_lowered:
.L_overlay_start_1:
0x0: {  	(tag) =	ssettag $0x1  }
0x1: {  	s2 =	rddreg [dreg:$0x0]  }
0x2: {  	s0 =	srdreg.scid;
	s3 =	rddreg [dreg:$0x1]  }
0x3: {  	s1 =	stileid.u32;
	s21 =	rddreg [dreg:$0x3];
	s5 =	simm.s32 $0x0  }
0x4: {  	s6 =	simm.s32 $0x1;
	s4 =	sand.u32 $0x1, s0;
	[smem:$0x7FF] =	sst s5  }
0x5: {  	s13 =	sadd.s32 $0x300, s2;
	s5 =	simm.s32 $0x5;
	s0 =	sor.u32 s4, s1  }
0x6: {  	p1 =	seq.s32 s4, $0x1;
	_ =	strace $0x80000047;
	s22 =	sshll.u32 s4, $0xB  }
0x7: {  	s10 =	ssub.s32 $0x2, s4;
	s25 =	sshll.u32 s4, $0x4;
	[dreg:$0x5] =	wrdreg s4  }
0x8: {  	s28 =	sor.u32 $0x4, s4;
	p0 =	seq.s32 s0, $0x0;
	[dreg:$0x6] =	wrdreg s22  }
0x9: {  	s29 =	sor.u32 $0x6, s4;
	[dreg:$0x9] =	wrdreg s25;
	p0 =	por !p0, !p1  }
0xa: {  	s12 =	sshrl.u32 s10, $0x1;
	[dreg:$0xc] =	wrdreg s28;
	p0 =	por !p0, !p0  }
0xb: {  	s26 =	sadd.s32 $0x10, s25;
	[dreg:$0xd] =	wrdreg s29;
	s6 =	simm.s32 @!p0 $0x0  }
0xc: {  	s23 =	ssub.s32 s10, s12;
	[dreg:$0xa] =	wrdreg s26;
	s6 =	ssub.s32 s1, s6  }
0xd: {  	s31 =	smax.u32 s23, $0x1;
	s8 =	sshll.u32 s6, $0xB;
	s9 =	sshll.u32 s6, $0x7  }
0xe: {  	s7 =	sshll.u32 s6, $0xC;
	s11 =	sand.u32 $0xFFFFC000, s8;
	s9 =	sand.u32 $0x380, s9  }
0xf: {  	[dreg:$0xf] =	wrdreg s31;
	s7 =	sor.u32 s22, s7;
	s9 =	sor.u32 s9, s11  }
0x10: {  	s30 =	sshll.u32 s6, $0x16;
	s7 =	sshrl.u32 s7, $0x3;
	s9 =	sshrl.u32 s9, $0x3  }
0x11: {  	[dreg:$0xe] =	wrdreg s30;
	s0 =	sadd.s32 s7, s21;
	s24 =	sadd.s32 s3, s9  }
0x12: {  	s12 =	sadd.s32 $0x200, s2;
	s0 =	sadd.s32 $0x800, s0;
	[dreg:$0x7] =	wrdreg s24  }
0x13: {  	v1 =	vlaneseq.u32;
	v3 =	vimm.s32 $0x0;
	s22 =	simm.s32 $0x800;
	[dreg:$0x8] =	wrdreg s0;
	s0 =	sadd.s32 $0x30, s25  }
0x14: {  	v4 =	vimm.f32 $0.0e+00;
	v0 =	vmov s8;
	v2 =	vor.u32 s8, v1;
	s11 =	sadd.s32 $0x100, s2;
	s3 =	simm.s32 $0x0;
	[dreg:$0xb] =	wrdreg s0  }
.LBB2_1:
0x15: {  	[dreg:$0x10] =	wrdreg s3;
	s0 =	simm.s32 $0x0  }
0x16: {  	s1 =	rddreg [dreg:$0x7];
	s31 =	simm.s32 $0x80;
	s4 =	simm.s32 $0x400  }
0x17: {  	[tilespmem:s0], [sflag:$0x5] =	stream.strided.gather [hbm4b:s1+s31], $0x800, s4, s31, $0x38;
	[tilespmem:$0x1D880] =	vst v63  }
0x18: {  	_ =	swait.ge [sflag:s5], $0x800  }
0x19: {  	[sflag:s5] =	ssyncset.done $0x0  }
0x1a: {  	s0 =	simm.s32 $0x840;
	[sflag:s5] =	ssyncadd.s32 $0xFFFFF800  }
0x1b: {  	[tilespmem:s0+$0xFFFFFFC0] =	vst v0  }
0x1c: {  	[tilespmem:s0+$0x30] =	vst v0  }
0x1d: {  	[tilespmem:s0+$0x20] =	vst v0  }
0x1e: {  	[tilespmem:s0+$0x10] =	vst v0  }
0x1f: {  	[tilespmem:s0+$0x0] =	vst v0  }
0x20: {  	[tilespmem:s0+$0xFFFFFFF0] =	vst v0  }
0x21: {  	s3 =	simm.s32 $0x0;
	[tilespmem:s0+$0xFFFFFFE0] =	vst v0  }
.LBB2_2:
0x22: {  	s3 =	sadd.s32 $0x8, s3;
	[tilespmem:s0+$0xFFFFFFD0] =	vst v0;
	s0 =	sadd.s32 $0x80, s0  }
0x23: {  	[tilespmem:s0+$0xFFFFFFC0] =	vst v0;
	p0 =	slt.u32 s3, $0x78  }
0x24: {  	[tilespmem:s0+$0x30] =	vst v0  }
.Ltmp0:
0x25: {  	[tilespmem:s0+$0x20] =	vst v0;
	(pc) =	sbr.rel @p0 .LBB2_2-.Ltmp0, $4  }
0x26: {  	[tilespmem:s0+$0x10] =	vst v0  }
0x27: {  	[tilespmem:s0+$0x0] =	vst v0  }
0x28: {  	[tilespmem:s0+$0xFFFFFFF0] =	vst v0  }
0x29: {  	[tilespmem:s0+$0xFFFFFFE0] =	vst v0  }
0x2a: {  	[tilespmem:s0+$0xFFFFFFD0] =	vst v0;
	s0 =	simm.s32 $0x0;
	s3 =	simm.s32 $0x0  }
.LBB2_4:
0x2b: {  	p0 =	sne.s32 s3, $0x80  }
.Ltmp1:
0x2c: {  	_ = 	snop;
	(pc) =	sbr.rel @p0 .LBB2_4-.Ltmp1, $3  }
0x2d: {  	_ =	sdelay $0x1  }
0x2e: {  	s6 =	sshra.s32 s3, $0x2  }
0x2f: {  	s3 =	sadd.s32 $0x40, s3;
	[tilespmem:s6+$0x1000] =	vst v0  }
0x30: {  	s3 =	sshra.s32 s0, $0x2;
	s6 =	sadd.s32 $0x40, s0  }
0x31: {  	v5 =	vld [tilespmem:s3+$0x0];
	s29 =	sshra.s32 s6, $0x2  }
0x32: {  	v6 =	vld [tilespmem:s29+$0x0];
	_ =	sdelay $0x3  }
0x33: {  	(xrf0) =	vadd.scan.msk.s32 $0xffff, v5  }
0x34: {  	(xrf0) =	vadd.scan.msk.s32 $0xffff, v6;
	_ =	sdelay $0x3  }
0x35: {  	s30 =	sadd.s32 $0x40, s6  }
0x36: {  	s6 =	sshra.s32 s30, $0x2;
	v6, _, _ =	vpop (xrf0)  }
0x37: {  	v5 =	vld [tilespmem:s6+$0x0];
	(v2sf) =	vpush v6, $0xF;
	v6, _, _ =	vpop (xrf0)  }
0x38: {  	(v2sf) =	vpush v6, $0xF;
	_ =	sdelay $0x2  }
0x39: {  	s3 =	sadd.s32 $0x40, s30  }
0x3a: {  	s31 =	sshra.s32 s3, $0x2;
	(xrf0) =	vadd.scan.msk.s32 $0xffff, v5  }
0x3b: {  	v5 =	vld [tilespmem:s31+$0x0];
	_ =	sdelay $0x3  }
0x3c: {  	s3 =	sadd.s32 $0x40, s3  }
.LBB2_6:
0x3d: {  	s6 =	sshra.s32 s3, $0x2;
	p0 =	sne.s32 s3, $0x1FC0;
	s3 =	sadd.s32 $0x40, s3;
	(xrf0) =	vadd.scan.msk.s32 $0xffff, v5;
	v6, _, _ =	vpop (xrf0)  }
.Ltmp2:
0x3e: {  	v5 =	vld [tilespmem:s6+$0x0];
	(v2sf) =	vpush v6, $0xF;
	(pc) =	sbr.rel @p0 .LBB2_6-.Ltmp2, $3  }
0x3f: {  	_ =	sdelay $0x1  }
0x40: {  	s6 =	spop (v2sf)  }
0x41: {  	s0 =	sadd.s32 s0, s6  }
0x42: {  	(xrf0) =	vadd.scan.msk.s32 $0xffff, v5;
	_ =	sdelay $0x4  }
0x43: {  	v5, _, _ =	vpop (xrf0)  }
0x44: {  	(v2sf) =	vpush v5, $0xF;
	v5, _, _ =	vpop (xrf0)  }
0x45: {  	(v2sf) =	vpush v5, $0xF;
	_ =	sdelay $0x4  }
0x46: {  	s3 =	simm.s32 $0x0  }
0x47: {  	v6 =	vld [tilespmem:s3+$0x0];
	_ =	sdelay $0x4  }
0x48: {  	(xrf0) =	vadd.scan.msk.s32 $0xffff, v6  }
0x49: {  	s6 =	spop (v2sf)  }
0x4a: {  	s0 =	sadd.s32 s0, s6;
	s28 =	spop (v2sf)  }
0x4b: {  	s0 =	sadd.s32 s0, s28;
	s30 =	spop (v2sf)  }
0x4c: {  	s0 =	sadd.s32 s0, s30;
	s31 =	spop (v2sf)  }
0x4d: {  	s0 =	sadd.s32 s0, s31  }
0x4e: {  	v9 =	vor.u32 s3, v1;
	v7, _, _ =	vpop (xrf0);
	s29 =	ssub.s32 $0x7FF, s0  }
0x4f: {  	v8 =	vadd.s32 s3, v7;
	(v2sf) =	vpush v7, $0xF;
	v5 =	vmov s29  }
0x50: {  	vm0 =	vgt.s32 v6, $0x0;
	v6 =	vsub.s32 v9, v8;
	v8 =	vadd.s32 v5, v8  }
0x51: {  	v6 =	vsel vm0, v8, v6  }
0x52: {  	v6 =	vadd.s32 $0x1, v6;
	_ =	sdelay $0x3  }
0x53: {  	v8 =	vor.u32 s3, v2  }
0x54: {  	s6 =	simm.s32 $0x10;
	[tilespmem:v6+s22+$0x0] =	vst.idx.msk $0xffff, v8  }
0x55: {  	s7 =	simm.s32 $0x20;
	s8 =	simm.s32 $0x10;
	v6 =	vld [tilespmem:s6+$0x0]  }
.LBB2_8:
0x56: {  	p0 =	sne.s32 s7, $0x7F0;
	_ =	sdelay $0x3  }
0x57: {  	vm0 =	vgt.s32 v6, $0x0;
	(xrf0) =	vadd.scan.msk.s32 $0xffff, v6  }
0x58: {  	s9 =	spop (v2sf)  }
0x59: {  	s3 =	sadd.s32 s3, s9;
	_ =	sdelay $0x3  }
0x5a: {  	v6, _, _ =	vpop (xrf0)  }
0x5b: {  	v8 =	vor.u32 s6, v1;
	v7 =	vadd.s32 s3, v6;
	(v2sf) =	vpush v6, $0xF  }
0x5c: {  	v6 =	vadd.s32 v5, v7;
	v7 =	vsub.s32 v8, v7  }
0x5d: {  	v6 =	vsel vm0, v6, v7  }
0x5e: {  	v6 =	vadd.s32 $0x1, v6;
	_ =	sdelay $0x1  }
.Ltmp3:
0x5f: {  	(pc) =	sbr.rel @p0 .LBB2_8-.Ltmp3, $4  }
0x60: {  	_ = 	snop  }
0x61: {  	v7 =	vor.u32 s6, v2;
	s6 =	smov.u32 s7  }
0x62: {  	s8 =	sadd.s32 $0x10, s8;
	[tilespmem:v6+s22+$0x0] =	vst.idx.msk $0xffff, v7  }
0x63: {  	s7 =	sadd.s32 $0x10, s7;
	v6 =	vld [tilespmem:s8+$0x0]  }
0x64: {  	_ =	sdelay $0x3  }
0x65: {  	(xrf0) =	vadd.scan.msk.s32 $0xffff, v6;
	_ =	sdelay $0x5  }
0x66: {  	v7, _, _ =	vpop (xrf0)  }
0x67: {  	(v2sf) =	vpush v7, $0xF;
	_ =	sdelay $0x2  }
0x68: {  	s7 =	spop (v2sf)  }
0x69: {  	s3 =	sadd.s32 s3, s7  }
0x6a: {  	v8 =	vor.u32 s6, v1;
	s1 =	rddreg [dreg:$0x6];
	v7 =	vadd.s32 s3, v7  }
0x6b: {  	s21 =	sadd.s32 $0x70, s1;
	vm0 =	vgt.s32 v6, $0x0;
	v5 =	vadd.s32 v5, v7;
	v6 =	vsub.s32 v8, v7  }
0x6c: {  	s30 =	ssub.s32 $0x800, s0;
	s23 =	sadd.s32 $0x20, s1;
	s24 =	sadd.s32 $0x30, s1;
	v9 =	vor.u32 s21, v1;
	v5 =	vsel vm0, v5, v6  }
0x6d: {  	s19 =	sshll.u32 s30, $0x1;
	s26 =	sadd.s32 $0x50, s1;
	v10 =	vor.u32 s23, v1;
	v11 =	vor.u32 s24, v1;
	v6 =	vadd.s32 $0x1, v5  }
0x6e: {  	s20 =	sadd.s32 $0x10, s1;
	v12 =	vor.u32 s26, v1;
	v8 =	vor.u32 s1, v1;
	v5 =	vmov s19  }
0x6f: {  	s25 =	sadd.s32 $0x40, s1;
	v7 =	vor.u32 s6, v2;
	vm0 =	vge.s32 v8, v5;
	v8 =	vor.u32 s20, v1  }
0x70: {  	vm1 =	vge.s32 v9, v5;
	v9 =	vor.u32 s25, v1;
	vm2 =	vge.s32 v10, v5  }
0x71: {  	vm3 =	vge.s32 v11, v5;
	vm5 =	vge.s32 v12, v5;
	v13 =	vsel vm1, $0x1, v3  }
0x72: {  	s28 =	sadd.s32 $0x60, s1;
	s3 =	simm.s32 $0x10C0;
	vm1 =	vge.s32 v8, v5;
	vm4 =	vge.s32 v9, v5;
	v8 =	vsel vm2, $0x1, v3;
	[tilespmem:v6+s22+$0x0] =	vst.idx.msk $0xffff, v7  }
0x73: {  	s8 =	sadd.s32 $0x80, s1;
	v9 =	vsel vm3, $0x1, v3;
	v6 =	vor.u32 s28, v1;
	v7 =	vsel vm1, $0x1, v3;
	[tilespmem:s3+$0x30] =	vst v13  }
0x74: {  	s7 =	simm.s32 $0x0;
	s6 =	simm.s32 $0x10C0;
	vm1 =	vge.s32 v6, v5;
	[tilespmem:s3+$0xFFFFFFD0] =	vst v7;
	v7 =	vsel vm4, $0x1, v3;
	v6 =	vsel vm5, $0x1, v3;
	s31 =	spop (v2sf)  }
.LBB2_10:
0x75: {  	v10 =	vor.u32 s8, v1;
	s9 =	sadd.s32 $0x10, s8;
	s10 =	sadd.s32 $0x70, s8;
	s7 =	sadd.s32 $0x8, s7;
	v11 =	vsel vm0, $0x1, v3;
	[tilespmem:s3+$0xFFFFFFE0] =	vst v8;
	v8 =	vsel vm1, $0x1, v3  }
0x76: {  	s14 =	sadd.s32 $0x30, s8;
	vm0 =	vge.s32 v10, v5;
	v10 =	vor.u32 s9, v1;
	s9 =	sadd.s32 $0x20, s8;
	v12 =	vor.u32 s10, v1;
	p0 =	slt.u32 s7, $0x78;
	[tilespmem:s3+$0xFFFFFFF0] =	vst v9  }
0x77: {  	v13 =	vor.u32 s14, v1;
	s10 =	sadd.s32 $0x50, s8;
	s14 =	sadd.s32 $0x60, s8;
	v9 =	vor.u32 s9, v1;
	s9 =	sadd.s32 $0x40, s8;
	vm1 =	vge.s32 v12, v5;
	[tilespmem:s3+$0x0] =	vst v7  }
.Ltmp4:
0x78: {  	v12 =	vor.u32 s10, v1;
	s3 =	sadd.s32 $0x80, s3;
	v7 =	vor.u32 s9, v1;
	v14 =	vsel vm1, $0x1, v3;
	[tilespmem:s6+$0x10] =	vst v6;
	(pc) =	sbr.rel @p0 .LBB2_10-.Ltmp4, $4  }
0x79: {  	vm1 =	vge.s32 v10, v5;
	vm2 =	vge.s32 v9, v5;
	v6 =	vor.u32 s14, v1;
	[tilespmem:s3+$0x30] =	vst v14  }
0x7a: {  	vm3 =	vge.s32 v13, v5;
	vm5 =	vge.s32 v12, v5;
	vm4 =	vge.s32 v7, v5;
	[tilespmem:s6+$0x20] =	vst v8  }
0x7b: {  	v7 =	vsel vm1, $0x1, v3;
	vm1 =	vge.s32 v6, v5;
	v8 =	vsel vm2, $0x1, v3;
	[tilespmem:s6+$0xFFFFFFC0] =	vst v11;
	s6 =	smov.u32 s3  }
0x7c: {  	s8 =	sadd.s32 $0x80, s8;
	v9 =	vsel vm3, $0x1, v3;
	v6 =	vsel vm5, $0x1, v3;
	[tilespmem:s3+$0xFFFFFFD0] =	vst v7;
	v7 =	vsel vm4, $0x1, v3  }
0x7d: {  	[tilespmem:s3+$0xFFFFFFE0] =	vst v8  }
0x7e: {  	[tilespmem:s3+$0xFFFFFFF0] =	vst v9  }
0x7f: {  	[tilespmem:s3+$0x0] =	vst v7  }
0x80: {  	v5 =	vsel vm1, $0x1, v3;
	[tilespmem:s6+$0x10] =	vst v6  }
0x81: {  	v6 =	vsel vm0, $0x1, v3;
	[tilespmem:s6+$0x20] =	vst v5  }
0x82: {  	s3 =	simm.s32 $0x0;
	s4 =	simm.s32 $0x1080;
	[tilespmem:s6+$0xFFFFFFC0] =	vst v6  }
0x83: {  	s28 =	simm.s32 $0x0;
	s8 =	simm.s32 $0x0;
	s1 =	rddreg [dreg:$0x8]  }
0x84: {  	[hbm4b:s1+s3] =	stream.linear.scatter [tilespmem:s4], [sflag:$0x5], $0x800, $0x38;
	[tilespmem:$0x1D880] =	vst v63  }
0x85: {  	s6 =	sand.u32 $0x6000, s28;
	s7 =	sand.u32 $0x1C00, s3;
	_ =	swait.ge [sflag:s5], $0x800  }
0x86: {  	s31 =	sand.u32 $0x380, s8;
	s6 =	sor.u32 s7, s6;
	[sflag:s5] =	ssyncset.done $0x0  }
0x87: {  	s6 =	sor.u32 s31, s6;
	[sflag:s5] =	ssyncadd.s32 $0xFFFFF800  }
0x88: {  	[tilespmem:s6+$0x78F0] =	vst v4  }
0x89: {  	[tilespmem:s6+$0x1880] =	vst v4  }
0x8a: {  	[tilespmem:s6+$0x7880] =	vst v4  }
0x8b: {  	[tilespmem:s6+$0x1890] =	vst v4  }
0x8c: {  	[tilespmem:s6+$0x7890] =	vst v4  }
0x8d: {  	[tilespmem:s6+$0x18A0] =	vst v4  }
0x8e: {  	[tilespmem:s6+$0x78A0] =	vst v4  }
0x8f: {  	[tilespmem:s6+$0x18B0] =	vst v4  }
0x90: {  	[tilespmem:s6+$0x78B0] =	vst v4  }
0x91: {  	[tilespmem:s6+$0x18C0] =	vst v4  }
0x92: {  	s7 =	simm.s32 $0x0;
	[tilespmem:s6+$0x78C0] =	vst v4  }
.LBB2_12:
0x93: {  	s7 =	sadd.s32 $0x8, s7;
	[tilespmem:s6+$0x18D0] =	vst v4  }
0x94: {  	s3 =	sadd.s32 $0x400, s3;
	s8 =	sshll.u32 s7, $0x4;
	p0 =	slt.u32 s7, $0x5F8;
	[tilespmem:s6+$0x78D0] =	vst v4  }
0x95: {  	s9 =	sand.u32 $0x1C00, s3;
	s10 =	sshll.u32 s7, $0x1;
	s8 =	sand.u32 $0x6000, s8;
	[tilespmem:s6+$0x18E0] =	vst v4  }
0x96: {  	s8 =	sor.u32 s9, s8;
	s9 =	sand.u32 $0x380, s10;
	[tilespmem:s6+$0x78E0] =	vst v4  }
0x97: {  	[tilespmem:s6+$0x18F0] =	vst v4;
	s6 =	sor.u32 s9, s8  }
0x98: {  	[tilespmem:s6+$0x78F0] =	vst v4  }
0x99: {  	[tilespmem:s6+$0x1880] =	vst v4  }
0x9a: {  	[tilespmem:s6+$0x7880] =	vst v4  }
0x9b: {  	[tilespmem:s6+$0x1890] =	vst v4  }
0x9c: {  	[tilespmem:s6+$0x7890] =	vst v4  }
0x9d: {  	[tilespmem:s6+$0x18A0] =	vst v4  }
.Ltmp5:
0x9e: {  	[tilespmem:s6+$0x78A0] =	vst v4;
	(pc) =	sbr.rel @p0 .LBB2_12-.Ltmp5, $4  }
0x9f: {  	[tilespmem:s6+$0x18B0] =	vst v4  }
0xa0: {  	[tilespmem:s6+$0x78B0] =	vst v4  }
0xa1: {  	[tilespmem:s6+$0x18C0] =	vst v4  }
0xa2: {  	[tilespmem:s6+$0x78C0] =	vst v4  }
0xa3: {  	[tilespmem:s6+$0x18D0] =	vst v4  }
0xa4: {  	[tilespmem:s6+$0x78D0] =	vst v4  }
0xa5: {  	[tilespmem:s6+$0x18E0] =	vst v4  }
0xa6: {  	[tilespmem:s6+$0x78E0] =	vst v4  }
0xa7: {  	[tilespmem:s6+$0x18F0] =	vst v4  }
0xa8: {  	s1 =	rddreg [dreg:$0xa]  }
0xa9: {  	p0 =	sle.s32 s1, s29;
	s1 =	rddreg [dreg:$0x9]  }
0xaa: {  	v5 =	vld @!p0 [tilespmem:s1+$0x800];
	_ =	sdelay $0x4  }
0xab: {  	v6 =	vshll.u32 @!p0 v5, $0x3  }
0xac: {  	v7 =	vlaneseq.u32 @!p0;
	v5 =	vand.u32 @!p0 $0x7, v5;
	v6 =	vand.u32 @!p0 $0xFFFFFFC0, v6  }
0xad: {  	v8 =	vshrl.u32 @!p0 v7, $0x3;
	v5 =	vor.u32 @!p0 v5, v6;
	v6 =	vand.u32 @!p0 $0x7, v7  }
0xae: {  	v8 =	vmul.u32 @!p0 $0x8, v8;
	v9 =	vperm.xlane @!p0 v5, v6;
	_ =	sdelay $0x1  }
0xaf: {  	v9 =	vadd.s32 @!p0 v8, v9;
	_ =	sdelay $0x3  }
0xb0: {  	vm0 =	vmmov @!p0 $0xffff;
	s3 =	simm.s32 @!p0 $0x0;
	s6 =	simm.s32 @!p0 $0x1880  }
0xb1: {  	v7 =	vor.u32 @!p0 $0x8, v7;
	[tilespmem:s6], [sflag:$0x1] =	stream.indirect_vreg.gather @!p0 [hbm4b:s2+s3], $0x80, v9, vm0, $0xb8;
	[tilespmem:$0x1D880] =	vst v63  }
0xb2: {  	v5 =	vperm.xlane @!p0 v5, v7;
	s6 =	simm.s32 @!p0 $0x2080  }
0xb3: {  	[tilespmem:s6], [sflag:$0x1] =	stream.indirect_vreg.gather @!p0 [hbm4b:s11+s3], $0x80, v9, vm0, $0xb8;
	[tilespmem:$0x1D880] =	vst v63  }
0xb4: {  	v5 =	vadd.s32 @!p0 v8, v5;
	s6 =	simm.s32 @!p0 $0x2880  }
0xb5: {  	[tilespmem:s6], [sflag:$0x1] =	stream.indirect_vreg.gather @!p0 [hbm4b:s12+s3], $0x80, v9, vm0, $0xb8;
	[tilespmem:$0x1D880] =	vst v63  }
0xb6: {  	s6 =	simm.s32 @!p0 $0x3080  }
0xb7: {  	[tilespmem:s6], [sflag:$0x1] =	stream.indirect_vreg.gather @!p0 [hbm4b:s13+s3], $0x80, v9, vm0, $0xb8;
	[tilespmem:$0x1D880] =	vst v63  }
0xb8: {  	s6 =	simm.s32 @!p0 $0x3880  }
0xb9: {  	[tilespmem:s6], [sflag:$0x1] =	stream.indirect_vreg.gather @!p0 [hbm4b:s2+s3], $0x80, v5, vm0, $0xb8;
	[tilespmem:$0x1D880] =	vst v63  }
0xba: {  	s6 =	simm.s32 @!p0 $0x4080  }
0xbb: {  	[tilespmem:s6], [sflag:$0x1] =	stream.indirect_vreg.gather @!p0 [hbm4b:s11+s3], $0x80, v5, vm0, $0xb8;
	[tilespmem:$0x1D880] =	vst v63  }
0xbc: {  	s6 =	simm.s32 @!p0 $0x4880  }
0xbd: {  	[tilespmem:s6], [sflag:$0x1] =	stream.indirect_vreg.gather @!p0 [hbm4b:s12+s3], $0x80, v5, vm0, $0xb8;
	[tilespmem:$0x1D880] =	vst v63  }
0xbe: {  	s6 =	simm.s32 @!p0 $0x5080  }
0xbf: {  	[tilespmem:s6], [sflag:$0x1] =	stream.indirect_vreg.gather @!p0 [hbm4b:s13+s3], $0x80, v5, vm0, $0xb8;
	[tilespmem:$0x1D880] =	vst v63  }
0xc0: {  	v5 =	vld.msk @!p0 [tilespmem:s1+$0x810], $0xff;
	_ =	sdelay $0x4  }
0xc1: {  	v7 =	vshll.u32 @!p0 v5, $0x3  }
0xc2: {  	v5 =	vand.u32 @!p0 $0x7, v5;
	v7 =	vand.u32 @!p0 $0xFFFFFFC0, v7  }
0xc3: {  	v5 =	vor.u32 @!p0 v5, v7  }
0xc4: {  	v5 =	vperm.xlane @!p0 v5, v6;
	_ =	sdelay $0x1  }
0xc5: {  	v5 =	vadd.s32 @!p0 v8, v5;
	_ =	sdelay $0x3  }
0xc6: {  	s6 =	simm.s32 @!p0 $0x5880  }
0xc7: {  	[tilespmem:s6], [sflag:$0x1] =	stream.indirect_vreg.gather @!p0 [hbm4b:s2+s3], $0x80, v5, vm0, $0xb8;
	[tilespmem:$0x1D880] =	vst v63  }
0xc8: {  	s6 =	simm.s32 @!p0 $0x6080  }
0xc9: {  	[tilespmem:s6], [sflag:$0x1] =	stream.indirect_vreg.gather @!p0 [hbm4b:s11+s3], $0x80, v5, vm0, $0xb8;
	[tilespmem:$0x1D880] =	vst v63  }
0xca: {  	s6 =	simm.s32 @!p0 $0x6880  }
0xcb: {  	[tilespmem:s6], [sflag:$0x1] =	stream.indirect_vreg.gather @!p0 [hbm4b:s12+s3], $0x80, v5, vm0, $0xb8;
	[tilespmem:$0x1D880] =	vst v63  }
0xcc: {  	s28 =	rddreg [dreg:$0xb];
	s6 =	simm.s32 @!p0 $0x7080  }
0xcd: {  	[tilespmem:s6], [sflag:$0x1] =	stream.indirect_vreg.gather @!p0 [hbm4b:s13+s3], $0x80, v5, vm0, $0xb8;
	[tilespmem:$0x1D880] =	vst v63  }
0xce: {  	p0 =	sle.s32 s28, s29  }
0xcf: {  	v5 =	vld @!p0 [tilespmem:s1+$0x820];
	_ =	sdelay $0x4  }
0xd0: {  	v6 =	vshll.u32 @!p0 v5, $0x3  }
0xd1: {  	v7 =	vlaneseq.u32 @!p0;
	v5 =	vand.u32 @!p0 $0x7, v5;
	v6 =	vand.u32 @!p0 $0xFFFFFFC0, v6  }
0xd2: {  	v8 =	vshrl.u32 @!p0 v7, $0x3;
	v5 =	vor.u32 @!p0 v5, v6;
	v6 =	vand.u32 @!p0 $0x7, v7  }
0xd3: {  	v8 =	vmul.u32 @!p0 $0x8, v8;
	v9 =	vperm.xlane @!p0 v5, v6;
	_ =	sdelay $0x1  }
0xd4: {  	v9 =	vadd.s32 @!p0 v8, v9;
	_ =	sdelay $0x3  }
0xd5: {  	vm0 =	vmmov @!p0 $0xffff;
	s3 =	simm.s32 @!p0 $0x0;
	s6 =	simm.s32 @!p0 $0x7880  }
0xd6: {  	v7 =	vor.u32 @!p0 $0x8, v7;
	[tilespmem:s6], [sflag:$0x2] =	stream.indirect_vreg.gather @!p0 [hbm4b:s2+s3], $0x80, v9, vm0, $0xb8;
	[tilespmem:$0x1D880] =	vst v63  }
0xd7: {  	v5 =	vperm.xlane @!p0 v5, v7;
	s6 =	simm.s32 @!p0 $0x8080  }
0xd8: {  	[tilespmem:s6], [sflag:$0x2] =	stream.indirect_vreg.gather @!p0 [hbm4b:s11+s3], $0x80, v9, vm0, $0xb8;
	[tilespmem:$0x1D880] =	vst v63  }
0xd9: {  	v5 =	vadd.s32 @!p0 v8, v5;
	s6 =	simm.s32 @!p0 $0x8880  }
0xda: {  	[tilespmem:s6], [sflag:$0x2] =	stream.indirect_vreg.gather @!p0 [hbm4b:s12+s3], $0x80, v9, vm0, $0xb8;
	[tilespmem:$0x1D880] =	vst v63  }
0xdb: {  	s6 =	simm.s32 @!p0 $0x9080  }
0xdc: {  	[tilespmem:s6], [sflag:$0x2] =	stream.indirect_vreg.gather @!p0 [hbm4b:s13+s3], $0x80, v9, vm0, $0xb8;
	[tilespmem:$0x1D880] =	vst v63  }
0xdd: {  	s6 =	simm.s32 @!p0 $0x9880  }
0xde: {  	[tilespmem:s6], [sflag:$0x2] =	stream.indirect_vreg.gather @!p0 [hbm4b:s2+s3], $0x80, v5, vm0, $0xb8;
	[tilespmem:$0x1D880] =	vst v63  }
0xdf: {  	s6 =	simm.s32 @!p0 $0xA080  }
0xe0: {  	[tilespmem:s6], [sflag:$0x2] =	stream.indirect_vreg.gather @!p0 [hbm4b:s11+s3], $0x80, v5, vm0, $0xb8;
	[tilespmem:$0x1D880] =	vst v63  }
0xe1: {  	s6 =	simm.s32 @!p0 $0xA880  }
0xe2: {  	[tilespmem:s6], [sflag:$0x2] =	stream.indirect_vreg.gather @!p0 [hbm4b:s12+s3], $0x80, v5, vm0, $0xb8;
	[tilespmem:$0x1D880] =	vst v63  }
0xe3: {  	s6 =	simm.s32 @!p0 $0xB080  }
0xe4: {  	[tilespmem:s6], [sflag:$0x2] =	stream.indirect_vreg.gather @!p0 [hbm4b:s13+s3], $0x80, v5, vm0, $0xb8;
	[tilespmem:$0x1D880] =	vst v63  }
0xe5: {  	v5 =	vld.msk @!p0 [tilespmem:s1+$0x830], $0xff;
	_ =	sdelay $0x4  }
0xe6: {  	v7 =	vshll.u32 @!p0 v5, $0x3  }
0xe7: {  	v5 =	vand.u32 @!p0 $0x7, v5;
	v7 =	vand.u32 @!p0 $0xFFFFFFC0, v7  }
0xe8: {  	v5 =	vor.u32 @!p0 v5, v7  }
0xe9: {  	v5 =	vperm.xlane @!p0 v5, v6;
	_ =	sdelay $0x1  }
0xea: {  	v5 =	vadd.s32 @!p0 v8, v5;
	_ =	sdelay $0x3  }
0xeb: {  	s6 =	simm.s32 @!p0 $0xB880  }
0xec: {  	[tilespmem:s6], [sflag:$0x2] =	stream.indirect_vreg.gather @!p0 [hbm4b:s2+s3], $0x80, v5, vm0, $0xb8;
	[tilespmem:$0x1D880] =	vst v63  }
0xed: {  	s6 =	simm.s32 @!p0 $0xC080  }
0xee: {  	[tilespmem:s6], [sflag:$0x2] =	stream.indirect_vreg.gather @!p0 [hbm4b:s11+s3], $0x80, v5, vm0, $0xb8;
	[tilespmem:$0x1D880] =	vst v63  }
0xef: {  	s6 =	simm.s32 @!p0 $0xC880  }
0xf0: {  	[tilespmem:s6], [sflag:$0x2] =	stream.indirect_vreg.gather @!p0 [hbm4b:s12+s3], $0x80, v5, vm0, $0xb8;
	[tilespmem:$0x1D880] =	vst v63  }
0xf1: {  	s6 =	simm.s32 @!p0 $0xD080  }
0xf2: {  	[tilespmem:s6], [sflag:$0x2] =	stream.indirect_vreg.gather @!p0 [hbm4b:s13+s3], $0x80, v5, vm0, $0xb8;
	[tilespmem:$0x1D880] =	vst v63  }
0xf3: {  	s31 =	ssub.s32 $0x801, s0;
	s3 =	simm.s32 $0x0  }
.LBB2_14:
0xf4: {  	s0 =	sshll.u32 s3, $0x2;
	s1 =	rddreg [dreg:$0x5]  }
0xf5: {  	s19 =	sor.u32 s1, s0  }
0xf6: {  	s20 =	sshll.u32 s19, $0x4  }
0xf7: {  	s6 =	sadd.s32 $0x10, s20  }
0xf8: {  	p1 =	sle.s32 s6, s29  }
0xf9: {  	s6 =	simm.s32 @!p1 $0x1  }
0xfa: {  	_ =	swait.ge @!p1 [sflag:s6], $0x6000  }
0xfb: {  	p0 =	seq.s32 s3, $0x0;
	s23 =	simm.s32 $0x800;
	[sflag:s6] =	ssyncset.done @!p1 $0x0  }
0xfc: {  	s7 =	simm.s32 $0x1;
	[sflag:s6] =	ssyncadd.s32 @!p1 $0xFFFFA000;
	s6 =	simm.s32 @!p0 $0x3  }
0xfd: {  	s8 =	simm.s32 $0x2;
	s10 =	simm.s32 $0x0;
	_ =	swait.ge @!p0 [sflag:s6], $0x8000  }
0xfe: {  	s14 =	simm.s32 $0x0;
	s18 =	simm.s32 $0x0;
	[sflag:s6] =	ssyncset.done @!p0 $0x0  }
0xff: {  	s26 =	simm.s32 $0x0;
	p1 =	por $0x0, $0x0;
	[sflag:s6] =	ssyncadd.s32 @!p0 $0xFFFF8000  }
.LBB2_15:
0x100: {  	s6 =	sshll.u32 s23, $0x2;
	s9 =	sand.u32 $0x3, s7;
	s21 =	sand.u32 $0x7, s8  }
0x101: {  	s24 =	sshll.u32 s26, $0x1;
	s6 =	sand.u32 $0xFFFF8000, s6;
	s9 =	sshll.u32 s9, $0xA  }
0x102: {  	s21 =	sshll.u32 s21, $0x9;
	s28 =	sor.u32 s20, s24;
	s9 =	sor.u32 s9, s6  }
0x103: {  	s6 =	sor.u32 s21, s6;
	s4 =	scvt.s32.f32 s28;
	s9 =	sshrl.u32 s9, $0x2  }
0x104: {  	s25 =	sor.u32 $0x1, s28;
	s21 =	sshrl.u32 s6, $0x2;
	s6 =	sor.u32 $0x18C0, s9  }
0x105: {  	s1 =	scvt.s32.f32 s25;
	v11 =	vld [tilespmem:s6+$0x30]  }
0x106: {  	s17 =	ssub.f32 $2.047000000e+03, s4;
	v13 =	vld [tilespmem:s6+$0xFFFFFFC0]  }
0x107: {  	s24 =	smul.f32 $2.442002590e-04, s1;
	v15 =	vld [tilespmem:s6+$0xFFFFFFD0]  }
0x108: {  	v17 =	vld [tilespmem:s6+$0xFFFFFFE0];
	s9 =	smul.f32 $2.442002590e-04, s17  }
0x109: {  	p2 =	slt.s32 s28, s29;
	s15 =	sadd.f32 $2.048000000e+03, s1;
	v25 =	vld [tilespmem:s6+$0xFFFFFFF0]  }
0x10a: {  	s17 =	ssub.f32 $1.000000000e+00, s24;
	s9 =	simm.s32 @p2 $0x0  }
0x10b: {  	s5 =	sshll.u32 s18, $0x2;
	s15 =	smul.f32 $2.442002590e-04, s15;
	p2 =	slt.s32 s25, s30;
	v7 =	vmov s9  }
0x10c: {  	s16 =	sand.u32 $0x3, s14;
	s21 =	sadd.s32 $0x1970, s21;
	s17 =	simm.s32 @p2 $0x0;
	v10 =	vmul.f32 v11, v7  }
0x10d: {  	s5 =	sand.u32 $0xFFFF8000, s5;
	s16 =	sshll.u32 s16, $0xA;
	v12 =	vld [tilespmem:s21+$0x0];
	s15 =	simm.s32 @p2 $0x0;
	v6 =	vmov s17;
	v20 =	vmul.f32 v13, v7;
	v26 =	vmul.f32 v15, v7  }
0x10e: {  	s5 =	sor.u32 s16, s5;
	s1 =	ssub.f32 $2.047000000e+03, s1;
	v14 =	vld [tilespmem:s21+$0xFFFFFF90];
	v5 =	vmov s15;
	v32 =	vmul.f32 v17, v7;
	v36 =	vmul.f32 v25, v7  }
0x10f: {  	v16 =	vld [tilespmem:s21+$0xFFFFFFA0];
	s17 =	sshrl.u32 s5, $0x2;
	v9 =	vmul.f32 v11, v6;
	v18 =	vmul.f32 v11, v5  }
0x110: {  	v22 =	vld [tilespmem:s21+$0xFFFFFFB0];
	s1 =	smul.f32 $2.442002590e-04, s1;
	s9 =	sadd.s32 $0x1900, s17;
	v21 =	vmul.f32 v13, v6;
	v23 =	vmul.f32 v13, v5  }
0x111: {  	p2 =	slt.s32 s25, s29;
	s15 =	smul.f32 $2.442002590e-04, s4;
	v27 =	vmul.f32 v15, v6;
	v15 =	vmul.f32 v15, v5;
	v28 =	vld [tilespmem:s9+$0xFFFFFFF0]  }
0x112: {  	s1 =	simm.s32 @p2 $0x0;
	s4 =	sadd.f32 $2.048000000e+03, s4;
	v33 =	vmul.f32 v17, v6;
	v17 =	vmul.f32 v17, v5;
	v30 =	vld [tilespmem:s9+$0x70]  }
0x113: {  	p3 =	slt.s32 s28, s30;
	p2 =	slt.s32 s28, s31;
	v8 =	vmov s1;
	v37 =	vmul.f32 v25, v6;
	v38 =	vmul.f32 v25, v5;
	s1 =	ssub.f32 $1.000000000e+00, s15;
	v31 =	vld [tilespmem:s9+$0x0]  }
0x114: {  	v19 =	vmul.f32 v12, v8;
	s15 =	simm.s32 @p2 $0x0;
	s4 =	smul.f32 $2.442002590e-04, s4;
	v24 =	vmul.f32 v14, v8;
	p2 =	slt.s32 s25, s31;
	v34 =	vld [tilespmem:s9+$0xFFFFFF90]  }
0x115: {  	v29 =	vmul.f32 v16, v8;
	v22 =	vmul.f32 v22, v8;
	v35 =	vld [tilespmem:s9+$0x10];
	v11 =	vmov s15;
	s24 =	simm.s32 @p2 $0x0;
	s1 =	simm.s32 @p3 $0x0  }
0x116: {  	v59 =	vld [tilespmem:s9+$0x40];
	s4 =	simm.s32 @p3 $0x0;
	v14 =	vmov s24;
	v18 =	vadd.f32 v19, v18;
	v12 =	vmov s1;
	s1 =	simm.s32 $0x1  }
0x117: {  	s25 =	sshll.u32 s10, $0x2;
	v25 =	vld [tilespmem:s9+$0x20];
	v16 =	vadd.f32 v24, v23;
	v13 =	vmov s4;
	s1 =	simm.s32 @!p1 $0x0;
	v19 =	vmul.f32 v28, v11  }
0x118: {  	v23 =	vld [tilespmem:s9+$0xFFFFFFA0];
	v24 =	vadd.f32 v29, v15;
	s4 =	sand.u32 $0xFFFF8000, s25;
	s1 =	sshll.u32 s1, $0xB;
	v28 =	vmul.f32 v30, v12;
	v15 =	vmul.f32 v30, v13  }
0x119: {  	v60 =	vld [tilespmem:s21+$0xFFFFFFD0];
	v22 =	vadd.f32 v22, v17;
	v17 =	vmul.f32 v31, v12;
	v29 =	vmul.f32 v31, v13;
	s1 =	sor.u32 s1, s4  }
0x11a: {  	v39 =	vld [tilespmem:s9+$0xFFFFFFB0];
	v31 =	vmul.f32 v31, v14;
	v34 =	vmul.f32 v34, v11;
	s1 =	sshrl.u32 s1, $0x2  }
0x11b: {  	v44 =	vld [tilespmem:s6+$0x10];
	v43 =	vmul.f32 v59, v13;
	v28 =	vadd.f32 v28, v19;
	v41 =	vadd.f32 v20, v29;
	s28 =	sadd.s32 $0xD980, s1  }
0x11c: {  	v40 =	vld [tilespmem:s9+$0x30];
	v20 =	vmul.f32 v35, v13;
	v19 =	vadd.f32 v21, v31;
	v21 =	vmul.f32 v35, v14;
	[tilespmem:s28+$0xF0] =	vst v18  }
0x11d: {  	v29 =	vld [tilespmem:s21+$0xFFFFFFC0];
	v23 =	vmul.f32 v23, v11;
	v31 =	vmul.f32 v25, v13;
	[tilespmem:s28+$0x90] =	vst v24  }
0x11e: {  	v42 =	vld [tilespmem:s9+$0x50];
	v18 =	vmul.f32 v35, v12;
	[tilespmem:s28+$0xA0] =	vst v22;
	v22 =	vmul.f32 v25, v12;
	v20 =	vadd.f32 v26, v20  }
0x11f: {  	v24 =	vld [tilespmem:s9+$0xFFFFFFC0];
	[tilespmem:s28+$0xFFFFFF70] =	vst v28;
	v25 =	vmul.f32 v25, v14;
	v26 =	vmul.f32 v39, v11  }
0x120: {  	v28 =	vld [tilespmem:s6+$0x0];
	v35 =	vmul.f32 v44, v6;
	v18 =	vadd.f32 v18, v34;
	[tilespmem:s28+$0xFFFFFF90] =	vst v20;
	v20 =	vadd.f32 v22, v23  }
0x121: {  	v23 =	vmul.f32 v40, v14;
	v22 =	vadd.f32 v32, v31;
	v31 =	vmul.f32 v60, v8  }
0x122: {  	v34 =	vmul.f32 v44, v7;
	v29 =	vmul.f32 v29, v8;
	[tilespmem:s28+$0xFFFFFF10] =	vst v18  }
0x123: {  	v18 =	vadd.f32 v27, v21;
	v21 =	vmul.f32 v40, v12;
	v27 =	vmul.f32 v40, v13;
	[tilespmem:s28+$0xFFFFFF20] =	vst v20  }
0x124: {  	v61 =	vld [tilespmem:s9+$0xFFFFFFD0];
	v20 =	vadd.f32 v33, v25;
	[tilespmem:s28+$0xFFFFFFA0] =	vst v22;
	v33 =	vmul.f32 v42, v12;
	v62 =	vmul.f32 v24, v11  }
0x125: {  	v22 =	vld [tilespmem:s21+$0xFFFFFFE0];
	v23 =	vadd.f32 v37, v23;
	v45 =	vmul.f32 v28, v7;
	v32 =	vmul.f32 v28, v6;
	[tilespmem:s28+$0x10] =	vst v18  }
0x126: {  	v25 =	vmul.f32 v28, v5;
	v24 =	vld [tilespmem:s9+$0xFFFFFFE0];
	v28 =	vmul.f32 v42, v13;
	[tilespmem:s28+$0x20] =	vst v20  }
0x127: {  	v18 =	vmul.f32 v30, v14;
	v30 =	vmul.f32 v59, v12;
	v21 =	vadd.f32 v21, v26;
	v20 =	vld [tilespmem:s9+$0x60];
	[tilespmem:s28+$0x30] =	vst v23  }
0x128: {  	v26 =	vmul.f32 v59, v14;
	v63 =	vadd.f32 v36, v27;
	v36 =	vadd.f32 v29, v38;
	v38 =	vld [tilespmem:s9+$0xFFFFFF80];
	[tilespmem:s28+$0xFFFFFF80] =	vst v41  }
0x129: {  	v27 =	vmul.f32 v61, v11;
	v29 =	vmul.f32 v42, v14;
	[tilespmem:s28+$0xFFFFFF30] =	vst v21;
	v21 =	vld [tilespmem:s6+$0x20]  }
0x12a: {  	s24 =	simm.s32 $0x0;
	s25 =	sadd.s32 $0x400, s6;
	v23 =	vld [tilespmem:s21+$0xFFFFFFF0];
	v39 =	vadd.f32 v45, v43;
	[tilespmem:s28+$0xFFFFFFB0] =	vst v63;
	v37 =	vadd.f32 v30, v62;
	v30 =	vmul.f32 v44, v5;
	s6 =	smov.u32 s28  }
.LBB2_16:
0x12b: {  	[tilespmem:s28+$0x0] =	vst v19;
	v19 =	vadd.f32 v32, v26  }
0x12c: {  	v40 =	vld [tilespmem:s25+$0x30];
	v22 =	vmul.f32 v22, v8;
	v24 =	vmul.f32 v24, v11;
	s21 =	sadd.s32 $0x400, s21;
	v26 =	vmovc v10;
	v32 =	vmov v9  }
0x12d: {  	s24 =	sadd.s32 $0x8, s24;
	v41 =	vld [tilespmem:s21+$0x0];
	[tilespmem:s28+$0x80] =	vst v16;
	v16 =	vadd.f32 v31, v25;
	v25 =	vmul.f32 v20, v12;
	v31 =	vmul.f32 v20, v13  }
0x12e: {  	v27 =	vadd.f32 v33, v27;
	p2 =	slt.u32 s24, $0x38;
	v20 =	vmul.f32 v20, v14;
	v42 =	vld [tilespmem:s25+$0xFFFFFFC0];
	[tilespmem:s28+$0xB0] =	vst v36;
	v33 =	vmul.f32 v21, v7  }
0x12f: {  	v28 =	vadd.f32 v34, v28;
	v34 =	vmul.f32 v21, v6;
	v21 =	vmul.f32 v21, v5;
	v36 =	vld [tilespmem:s21+$0xFFFFFF90];
	[tilespmem:s28+$0xFFFFFF40] =	vst v37  }
0x130: {  	v29 =	vadd.f32 v35, v29;
	v23 =	vmul.f32 v23, v8;
	v37 =	vld [tilespmem:s25+$0xFFFFFFD0];
	v38 =	vmul.f32 v38, v11;
	[tilespmem:s28+$0xFFFFFFC0] =	vst v39  }
0x131: {  	v35 =	vld [tilespmem:s21+$0xFFFFFFA0];
	v10 =	vmul.f32 v40, v7;
	v9 =	vmul.f32 v40, v6;
	[tilespmem:s28+$0x40] =	vst v19;
	v19 =	vadd.f32 v22, v30  }
0x132: {  	v30 =	vmul.f32 v40, v5;
	v22 =	vld [tilespmem:s25+$0xFFFFFFE0];
	v39 =	vmul.f32 v41, v8;
	v17 =	vadd.f32 v17, v38;
	[tilespmem:s28+$0xC0] =	vst v16  }
0x133: {  	v24 =	vadd.f32 v25, v24;
	v38 =	vmul.f32 v42, v7;
	v40 =	vmul.f32 v42, v6;
	v41 =	vld [tilespmem:s21+$0xFFFFFFB0];
	[tilespmem:s28+$0xFFFFFF50] =	vst v27  }
0x134: {  	s9 =	sadd.s32 $0x400, s9;
	v16 =	vmul.f32 v42, v5;
	v25 =	vmul.f32 v36, v8;
	v27 =	vld [tilespmem:s25+$0xFFFFFFF0];
	v30 =	vadd.f32 v39, v30;
	[tilespmem:s28+$0xFFFFFF00] =	vst v17  }
0x135: {  	s28 =	sadd.s32 $0x400, s28;
	v36 =	vmul.f32 v37, v7;
	v39 =	vmul.f32 v37, v6;
	v17 =	vld [tilespmem:s9+$0xFFFFFFF0];
	[tilespmem:s6+$0xFFFFFFD0] =	vst v28;
	v28 =	vadd.f32 v33, v31  }
0x136: {  	v16 =	vadd.f32 v25, v16;
	v25 =	vmul.f32 v37, v5;
	v31 =	vmul.f32 v35, v8;
	v33 =	vld [tilespmem:s9+$0x70];
	[tilespmem:s28+$0xF0] =	vst v30  }
0x137: {  	v20 =	vadd.f32 v34, v20;
	v30 =	vld [tilespmem:s9+$0x0];
	v35 =	vmul.f32 v22, v7;
	v37 =	vmul.f32 v22, v6;
	[tilespmem:s6+$0x50] =	vst v29  }
0x138: {  	v22 =	vmul.f32 v22, v5;
	v29 =	vld [tilespmem:s9+$0xFFFFFF90];
	v25 =	vadd.f32 v31, v25;
	v31 =	vmul.f32 v41, v8;
	[tilespmem:s6+$0xD0] =	vst v19  }
0x139: {  	v19 =	vadd.f32 v23, v21;
	v34 =	vld [tilespmem:s9+$0x10];
	v41 =	vmul.f32 v27, v7;
	v42 =	vmul.f32 v27, v6;
	[tilespmem:s6+$0xFFFFFF60] =	vst v24  }
0x13a: {  	v23 =	vmul.f32 v27, v5;
	[tilespmem:s28+$0x90] =	vst v25;
	v21 =	vld [tilespmem:s9+$0xFFFFFFA0];
	v22 =	vadd.f32 v31, v22;
	v24 =	vmul.f32 v17, v11  }
0x13b: {  	v26 =	vadd.f32 v26, v15;
	v25 =	vld [tilespmem:s9+$0x20];
	v27 =	vmul.f32 v33, v12;
	[tilespmem:s6+$0xFFFFFFE0] =	vst v28;
	v15 =	vmul.f32 v33, v13  }
0x13c: {  	v18 =	vadd.f32 v32, v18;
	v17 =	vmul.f32 v30, v12;
	v28 =	vmul.f32 v30, v13;
	[tilespmem:s28+$0xA0] =	vst v22;
	v22 =	vld [tilespmem:s9+$0xFFFFFFB0]  }
0x13d: {  	v30 =	vmul.f32 v30, v14;
	v29 =	vmul.f32 v29, v11;
	v31 =	vld [tilespmem:s9+$0x30];
	v24 =	vadd.f32 v27, v24;
	[tilespmem:s6+$0x60] =	vst v20  }
0x13e: {  	v43 =	vadd.f32 v38, v28;
	v20 =	vmul.f32 v34, v12;
	v27 =	vmul.f32 v34, v13;
	v28 =	vld [tilespmem:s21+$0xFFFFFFC0];
	[tilespmem:s6+$0xE0] =	vst v19  }
0x13f: {  	v19 =	vadd.f32 v40, v30;
	v30 =	vmul.f32 v34, v14;
	v21 =	vmul.f32 v21, v11;
	v32 =	vld [tilespmem:s9+$0xFFFFFFC0];
	[tilespmem:s28+$0xFFFFFF70] =	vst v24  }
0x140: {  	v20 =	vadd.f32 v20, v29;
	v24 =	vmul.f32 v25, v12;
	v29 =	vmul.f32 v25, v13;
	v34 =	vld [tilespmem:s9+$0x40];
	[tilespmem:s6+$0xFFFFFFF0] =	vst v26  }
0x141: {  	v26 =	vadd.f32 v36, v27;
	v25 =	vmul.f32 v25, v14;
	v22 =	vmul.f32 v22, v11;
	v27 =	vld [tilespmem:s25+$0x0];
	[tilespmem:s6+$0x70] =	vst v18;
	s6 =	smov.u32 s28  }
0x142: {  	v18 =	vadd.f32 v39, v30;
	[tilespmem:s28+$0xFFFFFF10] =	vst v20;
	v20 =	vmul.f32 v31, v12;
	v30 =	vmul.f32 v31, v13;
	v36 =	vld [tilespmem:s21+$0xFFFFFFD0]  }
0x143: {  	v21 =	vadd.f32 v24, v21;
	v31 =	vmul.f32 v31, v14;
	[tilespmem:s28+$0xFFFFFF90] =	vst v26;
	v28 =	vmul.f32 v28, v8;
	v38 =	vld [tilespmem:s9+$0xFFFFFFD0]  }
0x144: {  	v24 =	vadd.f32 v35, v29;
	[tilespmem:s28+$0x10] =	vst v18;
	v29 =	vmul.f32 v32, v11;
	v35 =	vld [tilespmem:s9+$0x50];
	v18 =	vmul.f32 v33, v14  }
0x145: {  	[tilespmem:s28+$0xFFFFFF20] =	vst v21;
	v21 =	vadd.f32 v37, v25;
	v37 =	vmul.f32 v34, v12;
	v39 =	vmul.f32 v34, v13;
	v40 =	vld [tilespmem:s25+$0x10]  }
0x146: {  	v20 =	vadd.f32 v20, v22;
	v26 =	vmul.f32 v34, v14;
	[tilespmem:s28+$0xFFFFFFA0] =	vst v24;
	v44 =	vmul.f32 v27, v7;
	v22 =	vld [tilespmem:s21+$0xFFFFFFE0]  }
.Ltmp6:
0x147: {  	v32 =	vmul.f32 v27, v6;
	v25 =	vmul.f32 v27, v5;
	[tilespmem:s28+$0x20] =	vst v21;
	v21 =	vadd.f32 v41, v30;
	v24 =	vld [tilespmem:s9+$0xFFFFFFE0];
	(pc) =	sbr.rel @p2 .LBB2_16-.Ltmp6, $4  }
0x148: {  	v30 =	vadd.f32 v42, v31;
	v31 =	vmul.f32 v36, v8;
	[tilespmem:s28+$0xFFFFFF30] =	vst v20;
	v27 =	vmul.f32 v38, v11;
	v20 =	vld [tilespmem:s9+$0x60]  }
0x149: {  	v36 =	vadd.f32 v28, v23;
	[tilespmem:s28+$0xFFFFFFB0] =	vst v21;
	v33 =	vmul.f32 v35, v12;
	v28 =	vmul.f32 v35, v13;
	v21 =	vld [tilespmem:s25+$0x20]  }
0x14a: {  	v37 =	vadd.f32 v37, v29;
	v29 =	vmul.f32 v35, v14;
	[tilespmem:s28+$0x30] =	vst v30;
	v34 =	vmul.f32 v40, v7;
	v23 =	vld [tilespmem:s21+$0xFFFFFFF0]  }
0x14b: {  	v39 =	vadd.f32 v44, v39;
	s25 =	sadd.s32 $0x400, s25;
	v35 =	vmul.f32 v40, v6;
	v30 =	vmul.f32 v40, v5;
	v38 =	vld [tilespmem:s9+$0xFFFFFF80];
	[tilespmem:s28+$0xFFFFFF80] =	vst v43  }
0x14c: {  	[tilespmem:s28+$0x0] =	vst v19  }
0x14d: {  	[tilespmem:s28+$0x80] =	vst v16  }
0x14e: {  	[tilespmem:s28+$0xB0] =	vst v36  }
0x14f: {  	v53 =	vadd.f32 v32, v26;
	[tilespmem:s28+$0xFFFFFF40] =	vst v37  }
0x150: {  	v54 =	vadd.f32 v31, v25;
	[tilespmem:s28+$0xFFFFFFC0] =	vst v39  }
0x151: {  	v56 =	vadd.f32 v33, v27;
	[tilespmem:s28+$0x40] =	vst v53  }
0x152: {  	v58 =	vmul.f32 v22, v8;
	v59 =	vadd.f32 v34, v28;
	v60 =	vmul.f32 v24, v11;
	[tilespmem:s28+$0xC0] =	vst v54  }
0x153: {  	v12 =	vmul.f32 v20, v12;
	v61 =	vadd.f32 v35, v29;
	v13 =	vmul.f32 v20, v13;
	[tilespmem:s28+$0xFFFFFF50] =	vst v56  }
0x154: {  	v14 =	vmul.f32 v20, v14;
	v7 =	vmul.f32 v21, v7;
	v62 =	vadd.f32 v58, v30;
	[tilespmem:s6+$0xFFFFFFD0] =	vst v59  }
0x155: {  	v6 =	vmul.f32 v21, v6;
	[tilespmem:s6+$0x50] =	vst v61;
	v55 =	vmul.f32 v38, v11;
	v11 =	vadd.f32 v12, v60  }
0x156: {  	v5 =	vmul.f32 v21, v5;
	v63 =	vmul.f32 v23, v8;
	v7 =	vadd.f32 v7, v13;
	[tilespmem:s6+$0xD0] =	vst v62  }
0x157: {  	s26 =	sadd.s32 $0x1, s26;
	v6 =	vadd.f32 v6, v14;
	[tilespmem:s6+$0xFFFFFF60] =	vst v11  }
0x158: {  	p2 =	sne.s32 s26, $0x8;
	v5 =	vadd.f32 v63, v5;
	[tilespmem:s6+$0xFFFFFFE0] =	vst v7  }
.Ltmp7:
0x159: {  	v57 =	vadd.f32 v17, v55;
	[tilespmem:s6+$0x60] =	vst v6;
	(pc) =	sbr.rel @p2 .LBB2_15-.Ltmp7, $4  }
0x15a: {  	v7 =	vadd.f32 v10, v15;
	[tilespmem:s6+$0xE0] =	vst v5  }
0x15b: {  	s23 =	sadd.s32 $0x800, s23;
	v6 =	vadd.f32 v9, v18;
	[tilespmem:s28+$0xFFFFFF00] =	vst v57  }
0x15c: {  	s7 =	sadd.s32 $0x1, s7;
	s8 =	sadd.s32 $0x2, s8;
	s18 =	sadd.s32 $0x800, s18;
	[tilespmem:s6+$0xFFFFFFF0] =	vst v7  }
0x15d: {  	s14 =	sadd.s32 $0x1, s14;
	s10 =	sadd.s32 $0x1000, s10;
	p1 =	por !p1, !p1;
	[tilespmem:s6+$0x70] =	vst v6  }
0x15e: {  	s1 =	sshll.u32 s19, $0xF;
	s4 =	rddreg [dreg:$0xe]  }
0x15f: {  	s1 =	sadd.s32 s4, s1  }
0x160: {  	s23 =	rddreg [dreg:$0x2];
	s24 =	simm.s32 $0x0;
	s1 =	sshrl.u32 s1, $0x3  }
0x161: {  	s5 =	simm.s32 $0xD880;
	s25 =	rddreg [dreg:$0xc];
	s1 =	sadd.s32 s23, s1  }
0x162: {  	[hbm4b:s1+s24] =	stream.linear.scatter [tilespmem:s5], [sflag:$0x3], $0x8000, $0x38;
	[tilespmem:$0x1D880] =	vst v63  }
0x163: {  	s1 =	sadd.s32 s25, s0  }
0x164: {  	s1 =	sshll.u32 s1, $0x4  }
0x165: {  	s1 =	smin.u32 s1, $0x7F0  }
0x166: {  	s26 =	sadd.s32 $0x10, s1  }
0x167: {  	p1 =	sle.s32 s26, s29  }
0x168: {  	v5 =	vld @!p1 [tilespmem:s1+$0x800];
	_ =	sdelay $0x4  }
0x169: {  	v6 =	vshll.u32 @!p1 v5, $0x3  }
0x16a: {  	v7 =	vlaneseq.u32 @!p1;
	v5 =	vand.u32 @!p1 $0x7, v5;
	v6 =	vand.u32 @!p1 $0xFFFFFFC0, v6  }
0x16b: {  	v8 =	vshrl.u32 @!p1 v7, $0x3;
	v5 =	vor.u32 @!p1 v5, v6;
	v6 =	vand.u32 @!p1 $0x7, v7  }
0x16c: {  	v8 =	vmul.u32 @!p1 $0x8, v8;
	v9 =	vperm.xlane @!p1 v5, v6;
	_ =	sdelay $0x1  }
0x16d: {  	v9 =	vadd.s32 @!p1 v8, v9;
	_ =	sdelay $0x3  }
0x16e: {  	vm0 =	vmmov @!p1 $0xffff;
	s4 =	simm.s32 @!p1 $0x0;
	s5 =	simm.s32 @!p1 $0x1880  }
0x16f: {  	v7 =	vor.u32 @!p1 $0x8, v7;
	[tilespmem:s5], [sflag:$0x1] =	stream.indirect_vreg.gather @!p1 [hbm4b:s2+s4], $0x80, v9, vm0, $0xb8;
	[tilespmem:$0x1D880] =	vst v63  }
0x170: {  	v5 =	vperm.xlane @!p1 v5, v7;
	s5 =	simm.s32 @!p1 $0x2080  }
0x171: {  	[tilespmem:s5], [sflag:$0x1] =	stream.indirect_vreg.gather @!p1 [hbm4b:s11+s4], $0x80, v9, vm0, $0xb8;
	[tilespmem:$0x1D880] =	vst v63  }
0x172: {  	v5 =	vadd.s32 @!p1 v8, v5;
	s5 =	simm.s32 @!p1 $0x2880  }
0x173: {  	[tilespmem:s5], [sflag:$0x1] =	stream.indirect_vreg.gather @!p1 [hbm4b:s12+s4], $0x80, v9, vm0, $0xb8;
	[tilespmem:$0x1D880] =	vst v63  }
0x174: {  	s5 =	simm.s32 @!p1 $0x3080  }
0x175: {  	[tilespmem:s5], [sflag:$0x1] =	stream.indirect_vreg.gather @!p1 [hbm4b:s13+s4], $0x80, v9, vm0, $0xb8;
	[tilespmem:$0x1D880] =	vst v63  }
0x176: {  	s5 =	simm.s32 @!p1 $0x3880  }
0x177: {  	[tilespmem:s5], [sflag:$0x1] =	stream.indirect_vreg.gather @!p1 [hbm4b:s2+s4], $0x80, v5, vm0, $0xb8;
	[tilespmem:$0x1D880] =	vst v63  }
0x178: {  	s5 =	simm.s32 @!p1 $0x4080  }
0x179: {  	[tilespmem:s5], [sflag:$0x1] =	stream.indirect_vreg.gather @!p1 [hbm4b:s11+s4], $0x80, v5, vm0, $0xb8;
	[tilespmem:$0x1D880] =	vst v63  }
0x17a: {  	s5 =	simm.s32 @!p1 $0x4880  }
0x17b: {  	[tilespmem:s5], [sflag:$0x1] =	stream.indirect_vreg.gather @!p1 [hbm4b:s12+s4], $0x80, v5, vm0, $0xb8;
	[tilespmem:$0x1D880] =	vst v63  }
0x17c: {  	s5 =	simm.s32 @!p1 $0x5080  }
0x17d: {  	[tilespmem:s5], [sflag:$0x1] =	stream.indirect_vreg.gather @!p1 [hbm4b:s13+s4], $0x80, v5, vm0, $0xb8;
	[tilespmem:$0x1D880] =	vst v63  }
0x17e: {  	v5 =	vld.msk @!p1 [tilespmem:s1+$0x810], $0xff;
	_ =	sdelay $0x4  }
0x17f: {  	v7 =	vshll.u32 @!p1 v5, $0x3  }
0x180: {  	v5 =	vand.u32 @!p1 $0x7, v5;
	v7 =	vand.u32 @!p1 $0xFFFFFFC0, v7  }
0x181: {  	v5 =	vor.u32 @!p1 v5, v7  }
0x182: {  	v5 =	vperm.xlane @!p1 v5, v6;
	_ =	sdelay $0x1  }
0x183: {  	v5 =	vadd.s32 @!p1 v8, v5;
	_ =	sdelay $0x3  }
0x184: {  	s1 =	simm.s32 @!p1 $0x5880  }
0x185: {  	[tilespmem:s1], [sflag:$0x1] =	stream.indirect_vreg.gather @!p1 [hbm4b:s2+s4], $0x80, v5, vm0, $0xb8;
	[tilespmem:$0x1D880] =	vst v63  }
0x186: {  	s19 =	sor.u32 $0x2, s19;
	s1 =	simm.s32 @!p1 $0x6080  }
0x187: {  	[tilespmem:s1], [sflag:$0x1] =	stream.indirect_vreg.gather @!p1 [hbm4b:s11+s4], $0x80, v5, vm0, $0xb8;
	[tilespmem:$0x1D880] =	vst v63  }
0x188: {  	s20 =	sshll.u32 s19, $0x4;
	s1 =	simm.s32 @!p1 $0x6880  }
0x189: {  	[tilespmem:s1], [sflag:$0x1] =	stream.indirect_vreg.gather @!p1 [hbm4b:s12+s4], $0x80, v5, vm0, $0xb8;
	[tilespmem:$0x1D880] =	vst v63  }
0x18a: {  	s28 =	sadd.s32 $0x10, s20;
	s1 =	simm.s32 @!p1 $0x7080  }
0x18b: {  	[tilespmem:s1], [sflag:$0x1] =	stream.indirect_vreg.gather @!p1 [hbm4b:s13+s4], $0x80, v5, vm0, $0xb8;
	[tilespmem:$0x1D880] =	vst v63  }
0x18c: {  	p1 =	sle.s32 s28, s29  }
0x18d: {  	s1 =	simm.s32 @!p1 $0x2  }
0x18e: {  	_ =	swait.ge @!p1 [sflag:s1], $0x6000  }
0x18f: {  	s7 =	simm.s32 $0x1;
	[sflag:s1] =	ssyncset.done @!p1 $0x0  }
0x190: {  	s8 =	simm.s32 $0x2;
	[sflag:s1] =	ssyncadd.s32 @!p1 $0xFFFFA000;
	s1 =	simm.s32 @!p0 $0x4  }
0x191: {  	s10 =	simm.s32 $0x0;
	s14 =	simm.s32 $0x0;
	_ =	swait.ge @!p0 [sflag:s1], $0x8000  }
0x192: {  	s18 =	simm.s32 $0x0;
	s23 =	simm.s32 $0x800;
	[sflag:s1] =	ssyncset.done @!p0 $0x0  }
0x193: {  	s26 =	simm.s32 $0x0;
	[sflag:s1] =	ssyncadd.s32 @!p0 $0xFFFF8000;
	p0 =	por $0x0, $0x0  }
.LBB2_19:
0x194: {  	s1 =	sshll.u32 s23, $0x2;
	s4 =	sand.u32 $0x3, s7  }
0x195: {  	s1 =	sand.u32 $0xFFFF8000, s1;
	s4 =	sshll.u32 s4, $0xA  }
0x196: {  	s5 =	sand.u32 $0x7, s8;
	s6 =	sshll.u32 s26, $0x1;
	s4 =	sor.u32 s4, s1  }
0x197: {  	s5 =	sshll.u32 s5, $0x9;
	s15 =	sor.u32 s20, s6;
	s4 =	sshrl.u32 s4, $0x2  }
0x198: {  	s1 =	sor.u32 s5, s1;
	s5 =	scvt.s32.f32 s15;
	s6 =	sadd.s32 $0x78C0, s4  }
0x199: {  	s25 =	sor.u32 $0x1, s15;
	s1 =	sshrl.u32 s1, $0x2;
	v11 =	vld [tilespmem:s6+$0x30]  }
0x19a: {  	s9 =	scvt.s32.f32 s25;
	s21 =	sadd.s32 $0x7970, s1;
	s1 =	ssub.f32 $2.047000000e+03, s5;
	v13 =	vld [tilespmem:s6+$0xFFFFFFC0]  }
0x19b: {  	v15 =	vld [tilespmem:s6+$0xFFFFFFD0]  }
0x19c: {  	s16 =	sadd.f32 $2.048000000e+03, s9;
	v17 =	vld [tilespmem:s6+$0xFFFFFFE0];
	s1 =	smul.f32 $2.442002590e-04, s1  }
0x19d: {  	p1 =	slt.s32 s15, s29;
	s24 =	smul.f32 $2.442002590e-04, s9;
	v25 =	vld [tilespmem:s6+$0xFFFFFFF0]  }
0x19e: {  	s9 =	ssub.f32 $2.047000000e+03, s9;
	s16 =	smul.f32 $2.442002590e-04, s16;
	s1 =	simm.s32 @p1 $0x0  }
0x19f: {  	s17 =	sand.u32 $0x3, s14;
	s28 =	ssub.f32 $1.000000000e+00, s24;
	p1 =	slt.s32 s25, s30;
	v7 =	vmov s1  }
0x1a0: {  	s17 =	sshll.u32 s17, $0xA;
	s4 =	sshll.u32 s18, $0x2;
	s16 =	simm.s32 @p1 $0x0;
	v10 =	vmul.f32 v11, v7  }
0x1a1: {  	v12 =	vld [tilespmem:s21+$0x0];
	s9 =	smul.f32 $2.442002590e-04, s9;
	s28 =	simm.s32 @p1 $0x0;
	v5 =	vmov s16;
	s16 =	sand.u32 $0xFFFF8000, s4;
	v20 =	vmul.f32 v13, v7;
	v26 =	vmul.f32 v15, v7  }
0x1a2: {  	v14 =	vld [tilespmem:s21+$0xFFFFFF90];
	p1 =	slt.s32 s25, s29;
	v6 =	vmov s28;
	v32 =	vmul.f32 v17, v7;
	v36 =	vmul.f32 v25, v7;
	s1 =	sor.u32 s17, s16  }
0x1a3: {  	v16 =	vld [tilespmem:s21+$0xFFFFFFA0];
	s9 =	simm.s32 @p1 $0x0;
	v9 =	vmul.f32 v11, v6;
	v18 =	vmul.f32 v11, v5;
	s1 =	sshrl.u32 s1, $0x2  }
0x1a4: {  	v22 =	vld [tilespmem:s21+$0xFFFFFFB0];
	v8 =	vmov s9;
	v21 =	vmul.f32 v13, v6;
	v23 =	vmul.f32 v13, v5;
	s9 =	sadd.s32 $0x7900, s1  }
0x1a5: {  	v27 =	vmul.f32 v15, v6;
	v15 =	vmul.f32 v15, v5;
	v28 =	vld [tilespmem:s9+$0xFFFFFFF0]  }
0x1a6: {  	s4 =	smul.f32 $2.442002590e-04, s5;
	s5 =	sadd.f32 $2.048000000e+03, s5;
	v33 =	vmul.f32 v17, v6;
	v17 =	vmul.f32 v17, v5;
	v30 =	vld [tilespmem:s9+$0x70]  }
0x1a7: {  	v37 =	vmul.f32 v25, v6;
	v24 =	vmul.f32 v14, v8;
	v31 =	vld [tilespmem:s9+$0x0]  }
0x1a8: {  	p1 =	slt.s32 s15, s31;
	v19 =	vmul.f32 v12, v8;
	s5 =	smul.f32 $2.442002590e-04, s5;
	v29 =	vmul.f32 v16, v8;
	s1 =	ssub.f32 $1.000000000e+00, s4;
	v34 =	vld [tilespmem:s9+$0xFFFFFF90]  }
0x1a9: {  	p2 =	slt.s32 s15, s30;
	v38 =	vmul.f32 v25, v5;
	v22 =	vmul.f32 v22, v8;
	s4 =	simm.s32 @p1 $0x0;
	v16 =	vadd.f32 v24, v23;
	v23 =	vld [tilespmem:s9+$0xFFFFFFA0]  }
0x1aa: {  	v11 =	vmov s4;
	s5 =	simm.s32 @p2 $0x0;
	v18 =	vadd.f32 v19, v18;
	v24 =	vadd.f32 v29, v15;
	v59 =	vld [tilespmem:s9+$0x40];
	s1 =	simm.s32 @p2 $0x0  }
0x1ab: {  	p1 =	slt.s32 s25, s31;
	v35 =	vld [tilespmem:s9+$0x10];
	v13 =	vmov s5;
	v12 =	vmov s1;
	s1 =	simm.s32 $0x1;
	v19 =	vmul.f32 v28, v11  }
0x1ac: {  	s25 =	sshll.u32 s10, $0x2;
	s24 =	simm.s32 @p1 $0x0;
	v25 =	vld [tilespmem:s9+$0x20];
	v22 =	vadd.f32 v22, v17;
	s1 =	simm.s32 @!p0 $0x0;
	v28 =	vmul.f32 v30, v12;
	v15 =	vmul.f32 v30, v13  }
0x1ad: {  	v60 =	vld [tilespmem:s21+$0xFFFFFFD0];
	s4 =	sand.u32 $0xFFFF8000, s25;
	v14 =	vmov s24;
	s1 =	sshll.u32 s1, $0xB;
	v17 =	vmul.f32 v31, v12;
	v29 =	vmul.f32 v31, v13  }
0x1ae: {  	v44 =	vld [tilespmem:s6+$0x10];
	s1 =	sor.u32 s1, s4;
	v31 =	vmul.f32 v31, v14;
	v34 =	vmul.f32 v34, v11  }
0x1af: {  	v39 =	vld [tilespmem:s9+$0xFFFFFFB0];
	v23 =	vmul.f32 v23, v11;
	v43 =	vmul.f32 v59, v13;
	s1 =	sshrl.u32 s1, $0x2  }
0x1b0: {  	v40 =	vld [tilespmem:s9+$0x30];
	s28 =	sadd.s32 $0x15980, s1;
	v28 =	vadd.f32 v28, v19;
	v41 =	vadd.f32 v20, v29;
	v20 =	vmul.f32 v35, v13  }
0x1b1: {  	v42 =	vld [tilespmem:s9+$0x50];
	v19 =	vadd.f32 v21, v31;
	v21 =	vmul.f32 v35, v14;
	v31 =	vmul.f32 v25, v13;
	[tilespmem:s28+$0xF0] =	vst v18  }
0x1b2: {  	v29 =	vld [tilespmem:s21+$0xFFFFFFC0];
	v18 =	vmul.f32 v35, v12;
	[tilespmem:s28+$0xA0] =	vst v22;
	v22 =	vmul.f32 v25, v12  }
0x1b3: {  	[tilespmem:s28+$0x90] =	vst v24;
	v24 =	vld [tilespmem:s9+$0xFFFFFFC0];
	v25 =	vmul.f32 v25, v14;
	v35 =	vmul.f32 v44, v6;
	v20 =	vadd.f32 v26, v20  }
0x1b4: {  	[tilespmem:s28+$0xFFFFFF70] =	vst v28;
	v26 =	vmul.f32 v39, v11;
	v18 =	vadd.f32 v18, v34;
	v34 =	vmul.f32 v44, v7  }
0x1b5: {  	v28 =	vld [tilespmem:s6+$0x0];
	[tilespmem:s28+$0xFFFFFF90] =	vst v20;
	v20 =	vadd.f32 v22, v23;
	v23 =	vmul.f32 v40, v14;
	v22 =	vadd.f32 v32, v31  }
0x1b6: {  	v31 =	vmul.f32 v60, v8;
	[tilespmem:s28+$0xFFFFFF10] =	vst v18;
	v18 =	vadd.f32 v27, v21;
	v21 =	vmul.f32 v40, v12  }
0x1b7: {  	v61 =	vld [tilespmem:s9+$0xFFFFFFD0];
	v27 =	vmul.f32 v40, v13;
	v29 =	vmul.f32 v29, v8;
	[tilespmem:s28+$0xFFFFFF20] =	vst v20  }
0x1b8: {  	v62 =	vmul.f32 v24, v11;
	v20 =	vadd.f32 v33, v25;
	[tilespmem:s28+$0xFFFFFFA0] =	vst v22;
	v33 =	vmul.f32 v42, v12  }
0x1b9: {  	v22 =	vld [tilespmem:s21+$0xFFFFFFE0];
	v23 =	vadd.f32 v37, v23;
	[tilespmem:s28+$0x10] =	vst v18;
	v18 =	vmul.f32 v30, v14;
	v30 =	vmul.f32 v59, v12  }
0x1ba: {  	v45 =	vmul.f32 v28, v7;
	v63 =	vadd.f32 v36, v27;
	v36 =	vadd.f32 v29, v38;
	v38 =	vld [tilespmem:s9+$0xFFFFFF80];
	[tilespmem:s28+$0xFFFFFF80] =	vst v41  }
0x1bb: {  	v24 =	vld [tilespmem:s9+$0xFFFFFFE0];
	v21 =	vadd.f32 v21, v26;
	v26 =	vmul.f32 v59, v14;
	v32 =	vmul.f32 v28, v6;
	[tilespmem:s28+$0x20] =	vst v20  }
0x1bc: {  	v25 =	vmul.f32 v28, v5;
	v27 =	vmul.f32 v61, v11;
	v20 =	vld [tilespmem:s9+$0x60];
	[tilespmem:s28+$0x30] =	vst v23  }
0x1bd: {  	v28 =	vmul.f32 v42, v13;
	v29 =	vmul.f32 v42, v14;
	[tilespmem:s28+$0xFFFFFF30] =	vst v21;
	v21 =	vld [tilespmem:s6+$0x20]  }
0x1be: {  	s25 =	sadd.s32 $0x400, s6;
	s24 =	simm.s32 $0x0;
	v23 =	vld [tilespmem:s21+$0xFFFFFFF0];
	[tilespmem:s28+$0xFFFFFFB0] =	vst v63;
	v37 =	vadd.f32 v30, v62;
	v39 =	vadd.f32 v45, v43;
	v30 =	vmul.f32 v44, v5;
	s6 =	smov.u32 s28  }
.LBB2_20:
0x1bf: {  	[tilespmem:s28+$0x0] =	vst v19;
	v19 =	vadd.f32 v32, v26  }
0x1c0: {  	v40 =	vld [tilespmem:s25+$0x30];
	v22 =	vmul.f32 v22, v8;
	v24 =	vmul.f32 v24, v11;
	s21 =	sadd.s32 $0x400, s21;
	v26 =	vmovc v10;
	v32 =	vmov v9  }
0x1c1: {  	s24 =	sadd.s32 $0x8, s24;
	v41 =	vld [tilespmem:s21+$0x0];
	[tilespmem:s28+$0x80] =	vst v16;
	v16 =	vadd.f32 v31, v25;
	v25 =	vmul.f32 v20, v12;
	v31 =	vmul.f32 v20, v13  }
0x1c2: {  	v27 =	vadd.f32 v33, v27;
	p1 =	slt.u32 s24, $0x38;
	v20 =	vmul.f32 v20, v14;
	v42 =	vld [tilespmem:s25+$0xFFFFFFC0];
	[tilespmem:s28+$0xB0] =	vst v36;
	v33 =	vmul.f32 v21, v7  }
0x1c3: {  	v28 =	vadd.f32 v34, v28;
	v34 =	vmul.f32 v21, v6;
	v21 =	vmul.f32 v21, v5;
	v36 =	vld [tilespmem:s21+$0xFFFFFF90];
	[tilespmem:s28+$0xFFFFFF40] =	vst v37  }
0x1c4: {  	v29 =	vadd.f32 v35, v29;
	v23 =	vmul.f32 v23, v8;
	v37 =	vld [tilespmem:s25+$0xFFFFFFD0];
	v38 =	vmul.f32 v38, v11;
	[tilespmem:s28+$0xFFFFFFC0] =	vst v39  }
0x1c5: {  	v35 =	vld [tilespmem:s21+$0xFFFFFFA0];
	v10 =	vmul.f32 v40, v7;
	v9 =	vmul.f32 v40, v6;
	[tilespmem:s28+$0x40] =	vst v19;
	v19 =	vadd.f32 v22, v30  }
0x1c6: {  	v30 =	vmul.f32 v40, v5;
	v22 =	vld [tilespmem:s25+$0xFFFFFFE0];
	v39 =	vmul.f32 v41, v8;
	v17 =	vadd.f32 v17, v38;
	[tilespmem:s28+$0xC0] =	vst v16  }
0x1c7: {  	v24 =	vadd.f32 v25, v24;
	v38 =	vmul.f32 v42, v7;
	v40 =	vmul.f32 v42, v6;
	v41 =	vld [tilespmem:s21+$0xFFFFFFB0];
	[tilespmem:s28+$0xFFFFFF50] =	vst v27  }
0x1c8: {  	s9 =	sadd.s32 $0x400, s9;
	v16 =	vmul.f32 v42, v5;
	v25 =	vmul.f32 v36, v8;
	v27 =	vld [tilespmem:s25+$0xFFFFFFF0];
	v30 =	vadd.f32 v39, v30;
	[tilespmem:s28+$0xFFFFFF00] =	vst v17  }
0x1c9: {  	s28 =	sadd.s32 $0x400, s28;
	v36 =	vmul.f32 v37, v7;
	v39 =	vmul.f32 v37, v6;
	v17 =	vld [tilespmem:s9+$0xFFFFFFF0];
	[tilespmem:s6+$0xFFFFFFD0] =	vst v28;
	v28 =	vadd.f32 v33, v31  }
0x1ca: {  	v16 =	vadd.f32 v25, v16;
	v25 =	vmul.f32 v37, v5;
	v31 =	vmul.f32 v35, v8;
	v33 =	vld [tilespmem:s9+$0x70];
	[tilespmem:s28+$0xF0] =	vst v30  }
0x1cb: {  	v20 =	vadd.f32 v34, v20;
	v30 =	vld [tilespmem:s9+$0x0];
	v35 =	vmul.f32 v22, v7;
	v37 =	vmul.f32 v22, v6;
	[tilespmem:s6+$0x50] =	vst v29  }
0x1cc: {  	v22 =	vmul.f32 v22, v5;
	v29 =	vld [tilespmem:s9+$0xFFFFFF90];
	v25 =	vadd.f32 v31, v25;
	v31 =	vmul.f32 v41, v8;
	[tilespmem:s6+$0xD0] =	vst v19  }
0x1cd: {  	v19 =	vadd.f32 v23, v21;
	v34 =	vld [tilespmem:s9+$0x10];
	v41 =	vmul.f32 v27, v7;
	v42 =	vmul.f32 v27, v6;
	[tilespmem:s6+$0xFFFFFF60] =	vst v24  }
0x1ce: {  	v23 =	vmul.f32 v27, v5;
	[tilespmem:s28+$0x90] =	vst v25;
	v21 =	vld [tilespmem:s9+$0xFFFFFFA0];
	v22 =	vadd.f32 v31, v22;
	v24 =	vmul.f32 v17, v11  }
0x1cf: {  	v26 =	vadd.f32 v26, v15;
	v25 =	vld [tilespmem:s9+$0x20];
	v27 =	vmul.f32 v33, v12;
	[tilespmem:s6+$0xFFFFFFE0] =	vst v28;
	v15 =	vmul.f32 v33, v13  }
0x1d0: {  	v18 =	vadd.f32 v32, v18;
	v17 =	vmul.f32 v30, v12;
	v28 =	vmul.f32 v30, v13;
	[tilespmem:s28+$0xA0] =	vst v22;
	v22 =	vld [tilespmem:s9+$0xFFFFFFB0]  }
0x1d1: {  	v30 =	vmul.f32 v30, v14;
	v29 =	vmul.f32 v29, v11;
	v31 =	vld [tilespmem:s9+$0x30];
	v24 =	vadd.f32 v27, v24;
	[tilespmem:s6+$0x60] =	vst v20  }
0x1d2: {  	v43 =	vadd.f32 v38, v28;
	v20 =	vmul.f32 v34, v12;
	v27 =	vmul.f32 v34, v13;
	v28 =	vld [tilespmem:s21+$0xFFFFFFC0];
	[tilespmem:s6+$0xE0] =	vst v19  }
0x1d3: {  	v19 =	vadd.f32 v40, v30;
	v30 =	vmul.f32 v34, v14;
	v21 =	vmul.f32 v21, v11;
	v32 =	vld [tilespmem:s9+$0xFFFFFFC0];
	[tilespmem:s28+$0xFFFFFF70] =	vst v24  }
0x1d4: {  	v20 =	vadd.f32 v20, v29;
	v24 =	vmul.f32 v25, v12;
	v29 =	vmul.f32 v25, v13;
	v34 =	vld [tilespmem:s9+$0x40];
	[tilespmem:s6+$0xFFFFFFF0] =	vst v26  }
0x1d5: {  	v26 =	vadd.f32 v36, v27;
	v25 =	vmul.f32 v25, v14;
	v22 =	vmul.f32 v22, v11;
	v27 =	vld [tilespmem:s25+$0x0];
	[tilespmem:s6+$0x70] =	vst v18;
	s6 =	smov.u32 s28  }
0x1d6: {  	v18 =	vadd.f32 v39, v30;
	[tilespmem:s28+$0xFFFFFF10] =	vst v20;
	v20 =	vmul.f32 v31, v12;
	v30 =	vmul.f32 v31, v13;
	v36 =	vld [tilespmem:s21+$0xFFFFFFD0]  }
0x1d7: {  	v21 =	vadd.f32 v24, v21;
	v31 =	vmul.f32 v31, v14;
	[tilespmem:s28+$0xFFFFFF90] =	vst v26;
	v28 =	vmul.f32 v28, v8;
	v38 =	vld [tilespmem:s9+$0xFFFFFFD0]  }
0x1d8: {  	v24 =	vadd.f32 v35, v29;
	[tilespmem:s28+$0x10] =	vst v18;
	v29 =	vmul.f32 v32, v11;
	v35 =	vld [tilespmem:s9+$0x50];
	v18 =	vmul.f32 v33, v14  }
0x1d9: {  	[tilespmem:s28+$0xFFFFFF20] =	vst v21;
	v21 =	vadd.f32 v37, v25;
	v37 =	vmul.f32 v34, v12;
	v39 =	vmul.f32 v34, v13;
	v40 =	vld [tilespmem:s25+$0x10]  }
0x1da: {  	v20 =	vadd.f32 v20, v22;
	v26 =	vmul.f32 v34, v14;
	[tilespmem:s28+$0xFFFFFFA0] =	vst v24;
	v44 =	vmul.f32 v27, v7;
	v22 =	vld [tilespmem:s21+$0xFFFFFFE0]  }
.Ltmp8:
0x1db: {  	v32 =	vmul.f32 v27, v6;
	v25 =	vmul.f32 v27, v5;
	[tilespmem:s28+$0x20] =	vst v21;
	v21 =	vadd.f32 v41, v30;
	v24 =	vld [tilespmem:s9+$0xFFFFFFE0];
	(pc) =	sbr.rel @p1 .LBB2_20-.Ltmp8, $4  }
0x1dc: {  	v30 =	vadd.f32 v42, v31;
	v31 =	vmul.f32 v36, v8;
	[tilespmem:s28+$0xFFFFFF30] =	vst v20;
	v27 =	vmul.f32 v38, v11;
	v20 =	vld [tilespmem:s9+$0x60]  }
0x1dd: {  	v36 =	vadd.f32 v28, v23;
	[tilespmem:s28+$0xFFFFFFB0] =	vst v21;
	v33 =	vmul.f32 v35, v12;
	v28 =	vmul.f32 v35, v13;
	v21 =	vld [tilespmem:s25+$0x20]  }
0x1de: {  	v37 =	vadd.f32 v37, v29;
	v29 =	vmul.f32 v35, v14;
	[tilespmem:s28+$0x30] =	vst v30;
	v34 =	vmul.f32 v40, v7;
	v23 =	vld [tilespmem:s21+$0xFFFFFFF0]  }
0x1df: {  	v39 =	vadd.f32 v44, v39;
	s25 =	sadd.s32 $0x400, s25;
	v35 =	vmul.f32 v40, v6;
	v30 =	vmul.f32 v40, v5;
	v38 =	vld [tilespmem:s9+$0xFFFFFF80];
	[tilespmem:s28+$0xFFFFFF80] =	vst v43  }
0x1e0: {  	[tilespmem:s28+$0x0] =	vst v19  }
0x1e1: {  	[tilespmem:s28+$0x80] =	vst v16  }
0x1e2: {  	[tilespmem:s28+$0xB0] =	vst v36  }
0x1e3: {  	v53 =	vadd.f32 v32, v26;
	[tilespmem:s28+$0xFFFFFF40] =	vst v37  }
0x1e4: {  	v54 =	vadd.f32 v31, v25;
	[tilespmem:s28+$0xFFFFFFC0] =	vst v39  }
0x1e5: {  	v56 =	vadd.f32 v33, v27;
	[tilespmem:s28+$0x40] =	vst v53  }
0x1e6: {  	v58 =	vmul.f32 v22, v8;
	v59 =	vadd.f32 v34, v28;
	v60 =	vmul.f32 v24, v11;
	[tilespmem:s28+$0xC0] =	vst v54  }
0x1e7: {  	v12 =	vmul.f32 v20, v12;
	v61 =	vadd.f32 v35, v29;
	v13 =	vmul.f32 v20, v13;
	[tilespmem:s28+$0xFFFFFF50] =	vst v56  }
0x1e8: {  	v14 =	vmul.f32 v20, v14;
	v7 =	vmul.f32 v21, v7;
	v62 =	vadd.f32 v58, v30;
	[tilespmem:s6+$0xFFFFFFD0] =	vst v59  }
0x1e9: {  	v6 =	vmul.f32 v21, v6;
	[tilespmem:s6+$0x50] =	vst v61;
	v55 =	vmul.f32 v38, v11;
	v11 =	vadd.f32 v12, v60  }
0x1ea: {  	v5 =	vmul.f32 v21, v5;
	v63 =	vmul.f32 v23, v8;
	v7 =	vadd.f32 v7, v13;
	[tilespmem:s6+$0xD0] =	vst v62  }
0x1eb: {  	s26 =	sadd.s32 $0x1, s26;
	v6 =	vadd.f32 v6, v14;
	[tilespmem:s6+$0xFFFFFF60] =	vst v11  }
0x1ec: {  	p1 =	sne.s32 s26, $0x8;
	v5 =	vadd.f32 v63, v5;
	[tilespmem:s6+$0xFFFFFFE0] =	vst v7  }
.Ltmp9:
0x1ed: {  	v57 =	vadd.f32 v17, v55;
	[tilespmem:s6+$0x60] =	vst v6;
	(pc) =	sbr.rel @p1 .LBB2_19-.Ltmp9, $4  }
0x1ee: {  	v7 =	vadd.f32 v10, v15;
	[tilespmem:s6+$0xE0] =	vst v5  }
0x1ef: {  	s23 =	sadd.s32 $0x800, s23;
	v6 =	vadd.f32 v9, v18;
	[tilespmem:s28+$0xFFFFFF00] =	vst v57  }
0x1f0: {  	s7 =	sadd.s32 $0x1, s7;
	s8 =	sadd.s32 $0x2, s8;
	s18 =	sadd.s32 $0x800, s18;
	[tilespmem:s6+$0xFFFFFFF0] =	vst v7  }
0x1f1: {  	s14 =	sadd.s32 $0x1, s14;
	s10 =	sadd.s32 $0x1000, s10;
	p0 =	por !p0, !p0;
	[tilespmem:s6+$0x70] =	vst v6  }
0x1f2: {  	s4 =	rddreg [dreg:$0xe]  }
0x1f3: {  	s1 =	sshll.u32 s19, $0xF;
	s26 =	rddreg [dreg:$0xd]  }
0x1f4: {  	s24 =	rddreg [dreg:$0x2];
	s1 =	sadd.s32 s4, s1;
	s0 =	sadd.s32 s26, s0  }
0x1f5: {  	s25 =	simm.s32 $0x0;
	s1 =	sshrl.u32 s1, $0x3;
	s0 =	sshll.u32 s0, $0x4  }
0x1f6: {  	s5 =	simm.s32 $0x15880;
	s1 =	sadd.s32 s24, s1;
	s0 =	smin.u32 s0, $0x7F0  }
0x1f7: {  	[hbm4b:s1+s25] =	stream.linear.scatter [tilespmem:s5], [sflag:$0x4], $0x8000, $0x38;
	[tilespmem:$0x1D880] =	vst v63  }
0x1f8: {  	s28 =	sadd.s32 $0x10, s0  }
0x1f9: {  	p0 =	sle.s32 s28, s29  }
0x1fa: {  	v5 =	vld @!p0 [tilespmem:s0+$0x800];
	_ =	sdelay $0x4  }
0x1fb: {  	v6 =	vshll.u32 @!p0 v5, $0x3  }
0x1fc: {  	v7 =	vlaneseq.u32 @!p0;
	v5 =	vand.u32 @!p0 $0x7, v5;
	v6 =	vand.u32 @!p0 $0xFFFFFFC0, v6  }
0x1fd: {  	v8 =	vshrl.u32 @!p0 v7, $0x3;
	v5 =	vor.u32 @!p0 v5, v6;
	v6 =	vand.u32 @!p0 $0x7, v7  }
0x1fe: {  	v8 =	vmul.u32 @!p0 $0x8, v8;
	v9 =	vperm.xlane @!p0 v5, v6;
	_ =	sdelay $0x1  }
0x1ff: {  	v9 =	vadd.s32 @!p0 v8, v9;
	_ =	sdelay $0x3  }
0x200: {  	vm0 =	vmmov @!p0 $0xffff;
	s1 =	simm.s32 @!p0 $0x0;
	s4 =	simm.s32 @!p0 $0x7880  }
0x201: {  	v7 =	vor.u32 @!p0 $0x8, v7;
	[tilespmem:s4], [sflag:$0x2] =	stream.indirect_vreg.gather @!p0 [hbm4b:s2+s1], $0x80, v9, vm0, $0xb8;
	[tilespmem:$0x1D880] =	vst v63  }
0x202: {  	v5 =	vperm.xlane @!p0 v5, v7;
	s4 =	simm.s32 @!p0 $0x8080  }
0x203: {  	[tilespmem:s4], [sflag:$0x2] =	stream.indirect_vreg.gather @!p0 [hbm4b:s11+s1], $0x80, v9, vm0, $0xb8;
	[tilespmem:$0x1D880] =	vst v63  }
0x204: {  	v5 =	vadd.s32 @!p0 v8, v5;
	s4 =	simm.s32 @!p0 $0x8880  }
0x205: {  	[tilespmem:s4], [sflag:$0x2] =	stream.indirect_vreg.gather @!p0 [hbm4b:s12+s1], $0x80, v9, vm0, $0xb8;
	[tilespmem:$0x1D880] =	vst v63  }
0x206: {  	s4 =	simm.s32 @!p0 $0x9080  }
0x207: {  	[tilespmem:s4], [sflag:$0x2] =	stream.indirect_vreg.gather @!p0 [hbm4b:s13+s1], $0x80, v9, vm0, $0xb8;
	[tilespmem:$0x1D880] =	vst v63  }
0x208: {  	s4 =	simm.s32 @!p0 $0x9880  }
0x209: {  	[tilespmem:s4], [sflag:$0x2] =	stream.indirect_vreg.gather @!p0 [hbm4b:s2+s1], $0x80, v5, vm0, $0xb8;
	[tilespmem:$0x1D880] =	vst v63  }
0x20a: {  	s4 =	simm.s32 @!p0 $0xA080  }
0x20b: {  	[tilespmem:s4], [sflag:$0x2] =	stream.indirect_vreg.gather @!p0 [hbm4b:s11+s1], $0x80, v5, vm0, $0xb8;
	[tilespmem:$0x1D880] =	vst v63  }
0x20c: {  	s4 =	simm.s32 @!p0 $0xA880  }
0x20d: {  	[tilespmem:s4], [sflag:$0x2] =	stream.indirect_vreg.gather @!p0 [hbm4b:s12+s1], $0x80, v5, vm0, $0xb8;
	[tilespmem:$0x1D880] =	vst v63  }
0x20e: {  	s4 =	simm.s32 @!p0 $0xB080  }
0x20f: {  	[tilespmem:s4], [sflag:$0x2] =	stream.indirect_vreg.gather @!p0 [hbm4b:s13+s1], $0x80, v5, vm0, $0xb8;
	[tilespmem:$0x1D880] =	vst v63  }
0x210: {  	v5 =	vld.msk @!p0 [tilespmem:s0+$0x810], $0xff;
	_ =	sdelay $0x4  }
0x211: {  	v7 =	vshll.u32 @!p0 v5, $0x3  }
0x212: {  	v5 =	vand.u32 @!p0 $0x7, v5;
	v7 =	vand.u32 @!p0 $0xFFFFFFC0, v7  }
0x213: {  	v5 =	vor.u32 @!p0 v5, v7  }
0x214: {  	v5 =	vperm.xlane @!p0 v5, v6;
	_ =	sdelay $0x1  }
0x215: {  	v5 =	vadd.s32 @!p0 v8, v5;
	_ =	sdelay $0x3  }
0x216: {  	s0 =	simm.s32 @!p0 $0xB880  }
0x217: {  	[tilespmem:s0], [sflag:$0x2] =	stream.indirect_vreg.gather @!p0 [hbm4b:s2+s1], $0x80, v5, vm0, $0xb8;
	[tilespmem:$0x1D880] =	vst v63  }
0x218: {  	s0 =	simm.s32 @!p0 $0xC080  }
0x219: {  	[tilespmem:s0], [sflag:$0x2] =	stream.indirect_vreg.gather @!p0 [hbm4b:s11+s1], $0x80, v5, vm0, $0xb8;
	[tilespmem:$0x1D880] =	vst v63  }
0x21a: {  	s0 =	simm.s32 @!p0 $0xC880  }
0x21b: {  	[tilespmem:s0], [sflag:$0x2] =	stream.indirect_vreg.gather @!p0 [hbm4b:s12+s1], $0x80, v5, vm0, $0xb8;
	[tilespmem:$0x1D880] =	vst v63  }
0x21c: {  	s3 =	sadd.s32 $0x1, s3;
	s0 =	simm.s32 @!p0 $0xD080  }
0x21d: {  	[tilespmem:s0], [sflag:$0x2] =	stream.indirect_vreg.gather @!p0 [hbm4b:s13+s1], $0x80, v5, vm0, $0xb8;
	[tilespmem:$0x1D880] =	vst v63  }
0x21e: {  	p0 =	sne.s32 s3, $0x20  }
.Ltmp10:
0x21f: {  	_ = 	snop;
	(pc) =	sbr.rel @p0 .LBB2_14-.Ltmp10, $1  }
0x220: {  	_ =	sdelay $0x3  }
0x221: {  	p0 =	slt.s32 s29, $0x800  }
0x222: {  	s0 =	simm.s32 @p0 $0x1  }
0x223: {  	_ =	swait.ge @p0 [sflag:s0], $0x6000  }
0x224: {  	[sflag:s0] =	ssyncset.done @p0 $0x0  }
0x225: {  	[sflag:s0] =	ssyncadd.s32 @p0 $0xFFFFA000;
	s0 =	simm.s32 @p0 $0x3  }
0x226: {  	_ =	swait.ge @p0 [sflag:s0], $0x8000  }
0x227: {  	[sflag:s0] =	ssyncset.done @p0 $0x0  }
0x228: {  	[sflag:s0] =	ssyncadd.s32 @p0 $0xFFFF8000;
	s0 =	simm.s32 @p0 $0x2  }
0x229: {  	_ =	swait.ge @p0 [sflag:s0], $0x6000  }
0x22a: {  	[sflag:s0] =	ssyncset.done @p0 $0x0  }
0x22b: {  	[sflag:s0] =	ssyncadd.s32 @p0 $0xFFFFA000;
	s0 =	simm.s32 @!p0 $0x3  }
0x22c: {  	_ =	swait.ge @!p0 [sflag:s0], $0x8000  }
0x22d: {  	[sflag:s0] =	ssyncset.done @!p0 $0x0  }
0x22e: {  	s1 =	simm.s32 $0x4;
	[sflag:s0] =	ssyncadd.s32 @!p0 $0xFFFF8000  }
0x22f: {  	_ =	swait.ge [sflag:s1], $0x8000  }
0x230: {  	s3 =	rddreg [dreg:$0x10]  }
0x231: {  	s31 =	rddreg [dreg:$0xf];
	s3 =	sadd.s32 $0x1, s3  }
0x232: {  	p0 =	sne.s32 s3, s31  }
.Ltmp11:
0x233: {  	_ = 	snop;
	(pc) =	sbr.rel @p0 .LBB2_1-.Ltmp11, $3  }
0x234: {  	_ =	sdelay $0x1  }
0x235: {  	[sflag:s1] =	ssyncset.done $0x0  }
0x236: {  	s5 =	simm.s32 $0x5;
	[sflag:s1] =	ssyncadd.s32 $0xFFFF8000  }
0x237: {  	_ =	sfence.sel $0x180000  }
0x238: {  	[bflag:$0x0] =	sbarrier.arrive $0xFFFF  }
0x239: {  	_ =	strace $0x90000047  }
0x23a: {  	s0 =	stileid.u32;
	[bflag:$0x2] =	sbarrier.arrive $0xFFFF  }
0x23b: {  	p0 =	sne.s32 s0, $0x0;
	s0 =	rddreg [dreg:$0x4]  }
0x23c: {  	s0 =	sadd.s32 @!p0 $0x100000, s0  }
0x23d: {  	[sflag:s0] =	ssyncadd.tile.s32 @!p0 $0x1;
	_ =	shalt  }
.Lfunc_end2:
_tile_overlayer_lowered:
.L_overlay_start_2:
0x23e: {  	(tag) =	ssettag $0x2  }
0x23f: {  	s0 =	rddreg [dreg:$0x0];
	s2 =	stileid.u32  }
0x240: {  	s1 =	rddreg [dreg:$0x1];
	p0 =	sne.s32 s2, $0x0  }
0x241: {  	s3 =	rddreg [dreg:$0x2];
	[bflag:$0x3] =	sbarrier.arrive $0xFFFF;
	s2 =	simm.s32 @!p0 $0x1C05  }
0x242: {  	[timem:s3], [sflag:s2] =	dma.local @!p0 [hbm:s0], s1  }
0x243: {  	s0 =	simm.s32 @!p0 $0x5  }
0x244: {  	_ =	swait.ge @!p0 [sflag:s0], s1  }
0x245: {  	s1 =	ssub.s32 @!p0 $0x0, s1;
	[sflag:s0] =	ssyncset.done @!p0 $0x0  }
0x246: {  	[sflag:s0] =	ssyncadd.s32 @!p0 s1  }
0x247: {  	[bflag:$0x3] =	sbarrier.arrive $0xFFFF  }
0x248: {  	_ =	shalt  }

</sc_bundles>
